<compile_context>
chip_gen: v7x
topology: tpu7x:2x2x1
jax: 0.10.2.dev20260603
libtpu: 0.0.44.dev20260713+nightly
codegen_flags: <defaults>
</compile_context>

<pallas_src>
import jax
import jax.numpy as jnp
from jax import lax
from jax.experimental import pallas as pl
from jax.experimental.pallas import tpu as pltpu
from jax.experimental.pallas import tpu_sc as plsc

N_GRAPHS = 1024
NODES_PER_GRAPH = 128
D_FEAT = 128
LANES = 16
NC, NS = 2, 16
NW = NC * NS
GPW = N_GRAPHS // NW
CH = D_FEAT // LANES
SCALE = 1.0 / NODES_PER_GRAPH
NBUF = 4


def _pool_body(feats_hbm, nb_hbm, out_hbm, idx_v, rows_a, rows_b, rows_c,
               rows_d, out_v, sem_a, sem_b, sem_c, sem_d):
    wid = lax.axis_index("s") * NC + lax.axis_index("c")
    base = wid * GPW
    pltpu.sync_copy(nb_hbm.at[pl.ds(base, GPW)], idx_v)
    bufs = (rows_a, rows_b, rows_c, rows_d)
    sems = (sem_a, sem_b, sem_c, sem_d)
    for b in range(NBUF):
        pltpu.async_copy(feats_hbm.at[idx_v.at[b]], bufs[b], sems[b])

    def super_body(t, carry):
        for b in range(NBUF):
            g = t * NBUF + b
            rows_v = bufs[b]
            pltpu.make_async_copy(
                feats_hbm.at[pl.ds(0, NODES_PER_GRAPH)], rows_v,
                sems[b]).wait()

            def body(r, accs):
                return tuple(accs[c] + rows_v[r, pl.ds(c * LANES, LANES)]
                             for c in range(CH))

            accs = lax.fori_loop(
                0, NODES_PER_GRAPH, body,
                tuple(jnp.zeros((LANES,), jnp.float32) for _ in range(CH)))
            gn = g + NBUF

            @pl.when(gn < GPW)
            def _():
                pltpu.async_copy(feats_hbm.at[idx_v.at[gn]], rows_v, sems[b])

            for c in range(CH):
                out_v[g, pl.ds(c * LANES, LANES)] = accs[c] * SCALE

        return carry

    lax.fori_loop(0, GPW // NBUF, super_body, 0)
    pltpu.sync_copy(out_v, out_hbm.at[pl.ds(base, GPW)])


@jax.jit
def kernel(feats, node_batches):
    mesh = plsc.VectorSubcoreMesh(core_axis_name="c", subcore_axis_name="s")
    f = pl.kernel(
        _pool_body,
        mesh=mesh,
        out_type=jax.ShapeDtypeStruct((N_GRAPHS, D_FEAT), jnp.float32),
        scratch_types=[
            pltpu.VMEM((GPW, NODES_PER_GRAPH), jnp.int32),
        ] + [pltpu.VMEM((NODES_PER_GRAPH, D_FEAT), jnp.float32)] * NBUF + [
            pltpu.VMEM((GPW, D_FEAT), jnp.float32),
        ] + [pltpu.SemaphoreType.DMA] * NBUF,
    )
    return f(feats, node_batches)

# --- scband reference (transcript-rebuilt; emitter-appended) ---
"""Pipeline reference for scband-avg-pooling-layer-81664508166880 (READ-ONLY COPY).

The authoritative reference and input builder live on the scoring server;
editing this copy changes nothing except your own understanding.
"""

import jax, jax.numpy as jnp
import numpy as np

N_NODES = 100000
D_FEAT = 128
N_GRAPHS = 1024
NODES_PER_GRAPH = 128

def setup_inputs(seed: int = 0) -> dict:
    key = jax.random.key(seed)
    k1, k2 = jax.random.split(key)
    feats = jax.random.normal(k1, (N_NODES, D_FEAT), dtype=jnp.float32)
    node_batches = jax.random.randint(k2, (N_GRAPHS, NODES_PER_GRAPH), 0, N_NODES, dtype=jnp.int32)
    return {"feats": feats, "node_batches": node_batches}

def reference(feats, node_batches):
    # Original torch loop: for each batch of node indices, gather feats[batch]
    # and take the mean over the node axis, concatenating results.
    # Vectorized faithful equivalent (all batches same length):
    gathered = jnp.take(feats, node_batches, axis=0)  # [B, nodes_per_graph, d]
    pooled_vals = jnp.mean(gathered, axis=1)          # [B, d]
    return pooled_vals

if __name__ == "__main__":
    import jax
    _d = setup_inputs()
    print(jax.jit(kernel)(*tuple(_d.values())))

</pallas_src>

<mosaic_0001>
#map = affine_map<(d0, d1) -> (0, 0)>
module attributes {stable_mosaic.version = 14 : i64} {
  func.func @_pool_body(%arg0: i32, %arg1: i32, %arg2: memref<100000x128xf32, #tpu.memory_space<hbm>>, %arg3: memref<1024x128xi32, #tpu.memory_space<hbm>>, %arg4: memref<1024x128xf32, #tpu.memory_space<hbm>>, %arg5: memref<32x128xi32, #tpu.memory_space<vmem>>, %arg6: memref<128x128xf32, #tpu.memory_space<vmem>>, %arg7: memref<128x128xf32, #tpu.memory_space<vmem>>, %arg8: memref<128x128xf32, #tpu.memory_space<vmem>>, %arg9: memref<128x128xf32, #tpu.memory_space<vmem>>, %arg10: memref<32x128xf32, #tpu.memory_space<vmem>>, %arg11: memref<!tpu.dma_semaphore, #tpu.memory_space<semaphore_mem>>, %arg12: memref<!tpu.dma_semaphore, #tpu.memory_space<semaphore_mem>>, %arg13: memref<!tpu.dma_semaphore, #tpu.memory_space<semaphore_mem>>, %arg14: memref<!tpu.dma_semaphore, #tpu.memory_space<semaphore_mem>>) attributes {dimension_semantics = [#tpu.dimension_semantics<core_parallel>, #tpu.dimension_semantics<subcore_parallel>], iteration_bounds = array<i64: 2, 16>, scalar_prefetch = 0 : i64, scratch_operands = 10 : i64, tpu.core_type = #tpu.core_type<sc_vector_subcore>, window_params = [{transform_indices = #map}, {transform_indices = #map}, {transform_indices = #map}]} {
    %mul3A = arith.constant 2 : i32
    %mul3A_0 = arith.muli %arg1, %mul3A : i32
    %add3A = arith.addi %mul3A_0, %arg0 : i32
    %mul3A_1 = arith.constant 32 : i32
    %mul3A_2 = arith.muli %add3A, %mul3A_1 : i32
    "tpu.region"() ({
      %run_scoped3A = tpu.sem_alloc : memref<!tpu.dma_semaphore, #tpu.memory_space<semaphore_mem>>
      %dma_start3A_35 = arith.constant 0 : i32
      %dma_start3A_36 = tpu.memref_slice %arg3[%mul3A_2, %dma_start3A_35] : memref<1024x128xi32, #tpu.memory_space<hbm>> -> memref<32x128xi32, #tpu.memory_space<hbm>>
      %dma_start3A_37 = arith.constant 0 : i32
      %dma_start3A_38 = tpu.memref_slice %arg3[%mul3A_2, %dma_start3A_37] : memref<1024x128xi32, #tpu.memory_space<hbm>> -> memref<32x128xi32, #tpu.memory_space<hbm>>
      tpu.enqueue_dma source(%dma_start3A_38 : memref<32x128xi32, #tpu.memory_space<hbm>>) target(%arg5 : memref<32x128xi32, #tpu.memory_space<vmem>>) target_semaphore(%run_scoped3A : memref<!tpu.dma_semaphore, #tpu.memory_space<semaphore_mem>>)
      %dma_wait3A = arith.constant 0 : i32
      %dma_wait3A_39 = tpu.memref_slice %arg3[%mul3A_2, %dma_wait3A] : memref<1024x128xi32, #tpu.memory_space<hbm>> -> memref<32x128xi32, #tpu.memory_space<hbm>>
      %dma_wait3A_40 = arith.constant 0 : i32
      %dma_wait3A_41 = tpu.memref_slice %arg3[%mul3A_2, %dma_wait3A_40] : memref<1024x128xi32, #tpu.memory_space<hbm>> -> memref<32x128xi32, #tpu.memory_space<hbm>>
      tpu.wait_dma2 semaphore(%run_scoped3A : memref<!tpu.dma_semaphore, #tpu.memory_space<semaphore_mem>>) src(%dma_wait3A_41 : memref<32x128xi32, #tpu.memory_space<hbm>>) dst(%arg5 : memref<32x128xi32, #tpu.memory_space<vmem>>)
      tpu.yield
    }) : () -> ()
    %dma_start3A = arith.constant 0 : i32
    %dma_start3A_3 = arith.constant 0 : i32
    %dma_start3A_4 = tpu.memref_slice %arg5[%dma_start3A, %dma_start3A_3] : memref<32x128xi32, #tpu.memory_space<vmem>> -> memref<1x128xi32, #tpu.memory_space<vmem>>
    %dma_start3A_5 = tpu.memref_squeeze %dma_start3A_4 : memref<1x128xi32, #tpu.memory_space<vmem>> -> memref<128xi32, #tpu.memory_space<vmem>>
    %dma_start3A_6 = arith.constant 0 : i32
    %dma_start3A_7 = arith.constant 0 : i32
    %dma_start3A_8 = tpu.memref_slice %arg2[%dma_start3A_6, %dma_start3A_7] : memref<100000x128xf32, #tpu.memory_space<hbm>> -> memref<100000x128xf32, #tpu.memory_space<hbm>>
    tpu.enqueue_indirect_dma source(%dma_start3A_8 : memref<100000x128xf32, #tpu.memory_space<hbm>>) target(%arg6 : memref<128x128xf32, #tpu.memory_space<vmem>>) offsets(%dma_start3A_5 : memref<128xi32, #tpu.memory_space<vmem>>) semaphore(%arg11 : memref<!tpu.dma_semaphore, #tpu.memory_space<semaphore_mem>>)
    %dma_start3A_9 = arith.constant 1 : i32
    %dma_start3A_10 = arith.constant 0 : i32
    %dma_start3A_11 = tpu.memref_slice %arg5[%dma_start3A_9, %dma_start3A_10] : memref<32x128xi32, #tpu.memory_space<vmem>> -> memref<1x128xi32, #tpu.memory_space<vmem>>
    %dma_start3A_12 = tpu.memref_squeeze %dma_start3A_11 : memref<1x128xi32, #tpu.memory_space<vmem>> -> memref<128xi32, #tpu.memory_space<vmem>>
    %dma_start3A_13 = arith.constant 0 : i32
    %dma_start3A_14 = arith.constant 0 : i32
    %dma_start3A_15 = tpu.memref_slice %arg2[%dma_start3A_13, %dma_start3A_14] : memref<100000x128xf32, #tpu.memory_space<hbm>> -> memref<100000x128xf32, #tpu.memory_space<hbm>>
    tpu.enqueue_indirect_dma source(%dma_start3A_15 : memref<100000x128xf32, #tpu.memory_space<hbm>>) target(%arg7 : memref<128x128xf32, #tpu.memory_space<vmem>>) offsets(%dma_start3A_12 : memref<128xi32, #tpu.memory_space<vmem>>) semaphore(%arg12 : memref<!tpu.dma_semaphore, #tpu.memory_space<semaphore_mem>>)
    %dma_start3A_16 = arith.constant 2 : i32
    %dma_start3A_17 = arith.constant 0 : i32
    %dma_start3A_18 = tpu.memref_slice %arg5[%dma_start3A_16, %dma_start3A_17] : memref<32x128xi32, #tpu.memory_space<vmem>> -> memref<1x128xi32, #tpu.memory_space<vmem>>
    %dma_start3A_19 = tpu.memref_squeeze %dma_start3A_18 : memref<1x128xi32, #tpu.memory_space<vmem>> -> memref<128xi32, #tpu.memory_space<vmem>>
    %dma_start3A_20 = arith.constant 0 : i32
    %dma_start3A_21 = arith.constant 0 : i32
    %dma_start3A_22 = tpu.memref_slice %arg2[%dma_start3A_20, %dma_start3A_21] : memref<100000x128xf32, #tpu.memory_space<hbm>> -> memref<100000x128xf32, #tpu.memory_space<hbm>>
    tpu.enqueue_indirect_dma source(%dma_start3A_22 : memref<100000x128xf32, #tpu.memory_space<hbm>>) target(%arg8 : memref<128x128xf32, #tpu.memory_space<vmem>>) offsets(%dma_start3A_19 : memref<128xi32, #tpu.memory_space<vmem>>) semaphore(%arg13 : memref<!tpu.dma_semaphore, #tpu.memory_space<semaphore_mem>>)
    %dma_start3A_23 = arith.constant 3 : i32
    %dma_start3A_24 = arith.constant 0 : i32
    %dma_start3A_25 = tpu.memref_slice %arg5[%dma_start3A_23, %dma_start3A_24] : memref<32x128xi32, #tpu.memory_space<vmem>> -> memref<1x128xi32, #tpu.memory_space<vmem>>
    %dma_start3A_26 = tpu.memref_squeeze %dma_start3A_25 : memref<1x128xi32, #tpu.memory_space<vmem>> -> memref<128xi32, #tpu.memory_space<vmem>>
    %dma_start3A_27 = arith.constant 0 : i32
    %dma_start3A_28 = arith.constant 0 : i32
    %dma_start3A_29 = tpu.memref_slice %arg2[%dma_start3A_27, %dma_start3A_28] : memref<100000x128xf32, #tpu.memory_space<hbm>> -> memref<100000x128xf32, #tpu.memory_space<hbm>>
    tpu.enqueue_indirect_dma source(%dma_start3A_29 : memref<100000x128xf32, #tpu.memory_space<hbm>>) target(%arg9 : memref<128x128xf32, #tpu.memory_space<vmem>>) offsets(%dma_start3A_26 : memref<128xi32, #tpu.memory_space<vmem>>) semaphore(%arg14 : memref<!tpu.dma_semaphore, #tpu.memory_space<semaphore_mem>>)
    %scan3A = arith.constant 0 : i32
    %scan3A_30 = arith.constant 0 : i32
    %scan3A_31 = arith.constant 8 : i32
    %scan3A_32 = arith.addi %scan3A_30, %scan3A_31 : i32
    %scan3A_33 = arith.constant 1 : i32
    scf.for %scan3A_35 = %scan3A_30 to %scan3A_32 step %scan3A_33  : i32 {
      %mul3A_36 = arith.constant 4 : i32
      %mul3A_37 = arith.muli %scan3A_35, %mul3A_36 : i32
      %add3A_38 = arith.constant 0 : i32
      %add3A_39 = arith.addi %mul3A_37, %add3A_38 : i32
      %dma_wait3A = arith.constant 0 : i32
      %dma_wait3A_40 = arith.constant 0 : i32
      %dma_wait3A_41 = tpu.memref_slice %arg2[%dma_wait3A, %dma_wait3A_40] : memref<100000x128xf32, #tpu.memory_space<hbm>> -> memref<128x128xf32, #tpu.memory_space<hbm>>
      %dma_wait3A_42 = arith.constant 0 : i32
      %dma_wait3A_43 = arith.constant 0 : i32
      %dma_wait3A_44 = tpu.memref_slice %arg2[%dma_wait3A_42, %dma_wait3A_43] : memref<100000x128xf32, #tpu.memory_space<hbm>> -> memref<128x128xf32, #tpu.memory_space<hbm>>
      tpu.wait_dma2 semaphore(%arg11 : memref<!tpu.dma_semaphore, #tpu.memory_space<semaphore_mem>>) src(%dma_wait3A_44 : memref<128x128xf32, #tpu.memory_space<hbm>>) dst(%arg6 : memref<128x128xf32, #tpu.memory_space<vmem>>)
      %broadcast_in_dim3A = arith.constant 0.000000e+00 : f32
      %broadcast_in_dim3A_45 = vector.broadcast %broadcast_in_dim3A : f32 to vector<16xf32>
      %broadcast_in_dim3A_46 = arith.constant 0.000000e+00 : f32
      %broadcast_in_dim3A_47 = vector.broadcast %broadcast_in_dim3A_46 : f32 to vector<16xf32>
      %broadcast_in_dim3A_48 = arith.constant 0.000000e+00 : f32
      %broadcast_in_dim3A_49 = vector.broadcast %broadcast_in_dim3A_48 : f32 to vector<16xf32>
      %broadcast_in_dim3A_50 = arith.constant 0.000000e+00 : f32
      %broadcast_in_dim3A_51 = vector.broadcast %broadcast_in_dim3A_50 : f32 to vector<16xf32>
      %broadcast_in_dim3A_52 = arith.constant 0.000000e+00 : f32
      %broadcast_in_dim3A_53 = vector.broadcast %broadcast_in_dim3A_52 : f32 to vector<16xf32>
      %broadcast_in_dim3A_54 = arith.constant 0.000000e+00 : f32
      %broadcast_in_dim3A_55 = vector.broadcast %broadcast_in_dim3A_54 : f32 to vector<16xf32>
      %broadcast_in_dim3A_56 = arith.constant 0.000000e+00 : f32
      %broadcast_in_dim3A_57 = vector.broadcast %broadcast_in_dim3A_56 : f32 to vector<16xf32>
      %broadcast_in_dim3A_58 = arith.constant 0.000000e+00 : f32
      %broadcast_in_dim3A_59 = vector.broadcast %broadcast_in_dim3A_58 : f32 to vector<16xf32>
      %scan3A_60 = arith.constant 0 : i32
      %scan3A_61 = arith.constant 128 : i32
      %scan3A_62 = arith.addi %scan3A_60, %scan3A_61 : i32
      %scan3A_63 = arith.constant 1 : i32
      %scan3A_64:8 = scf.for %scan3A_442 = %scan3A_60 to %scan3A_62 step %scan3A_63 iter_args(%scan3A_443 = %broadcast_in_dim3A_45, %scan3A_444 = %broadcast_in_dim3A_47, %scan3A_445 = %broadcast_in_dim3A_49, %scan3A_446 = %broadcast_in_dim3A_51, %scan3A_447 = %broadcast_in_dim3A_53, %scan3A_448 = %broadcast_in_dim3A_55, %scan3A_449 = %broadcast_in_dim3A_57, %scan3A_450 = %broadcast_in_dim3A_59) -> (vector<16xf32>, vector<16xf32>, vector<16xf32>, vector<16xf32>, vector<16xf32>, vector<16xf32>, vector<16xf32>, vector<16xf32>)  : i32 {
        %get3A = arith.index_cast %scan3A_442 : i32 to index
        %get3A_451 = arith.constant 0 : index
        %get3A_452 = tpu.vector_load %arg6[%get3A, %get3A_451] {strides = array<i32>} : memref<128x128xf32, #tpu.memory_space<vmem>>, vector<1x16xf32>,
        %get3A_453 = vector.shape_cast %get3A_452 : vector<1x16xf32> to vector<16xf32>
        %add3A_454 = arith.addf %scan3A_443, %get3A_453 : vector<16xf32>
        %get3A_455 = arith.index_cast %scan3A_442 : i32 to index
        %get3A_456 = arith.constant 16 : index
        %get3A_457 = tpu.vector_load %arg6[%get3A_455, %get3A_456] {strides = array<i32>} : memref<128x128xf32, #tpu.memory_space<vmem>>, vector<1x16xf32>,
        %get3A_458 = vector.shape_cast %get3A_457 : vector<1x16xf32> to vector<16xf32>
        %add3A_459 = arith.addf %scan3A_444, %get3A_458 : vector<16xf32>
        %get3A_460 = arith.index_cast %scan3A_442 : i32 to index
        %get3A_461 = arith.constant 32 : index
        %get3A_462 = tpu.vector_load %arg6[%get3A_460, %get3A_461] {strides = array<i32>} : memref<128x128xf32, #tpu.memory_space<vmem>>, vector<1x16xf32>,
        %get3A_463 = vector.shape_cast %get3A_462 : vector<1x16xf32> to vector<16xf32>
        %add3A_464 = arith.addf %scan3A_445, %get3A_463 : vector<16xf32>
        %get3A_465 = arith.index_cast %scan3A_442 : i32 to index
        %get3A_466 = arith.constant 48 : index
        %get3A_467 = tpu.vector_load %arg6[%get3A_465, %get3A_466] {strides = array<i32>} : memref<128x128xf32, #tpu.memory_space<vmem>>, vector<1x16xf32>,
        %get3A_468 = vector.shape_cast %get3A_467 : vector<1x16xf32> to vector<16xf32>
        %add3A_469 = arith.addf %scan3A_446, %get3A_468 : vector<16xf32>
        %get3A_470 = arith.index_cast %scan3A_442 : i32 to index
        %get3A_471 = arith.constant 64 : index
        %get3A_472 = tpu.vector_load %arg6[%get3A_470, %get3A_471] {strides = array<i32>} : memref<128x128xf32, #tpu.memory_space<vmem>>, vector<1x16xf32>,
        %get3A_473 = vector.shape_cast %get3A_472 : vector<1x16xf32> to vector<16xf32>
        %add3A_474 = arith.addf %scan3A_447, %get3A_473 : vector<16xf32>
        %get3A_475 = arith.index_cast %scan3A_442 : i32 to index
        %get3A_476 = arith.constant 80 : index
        %get3A_477 = tpu.vector_load %arg6[%get3A_475, %get3A_476] {strides = array<i32>} : memref<128x128xf32, #tpu.memory_space<vmem>>, vector<1x16xf32>,
        %get3A_478 = vector.shape_cast %get3A_477 : vector<1x16xf32> to vector<16xf32>
        %add3A_479 = arith.addf %scan3A_448, %get3A_478 : vector<16xf32>
        %get3A_480 = arith.index_cast %scan3A_442 : i32 to index
        %get3A_481 = arith.constant 96 : index
        %get3A_482 = tpu.vector_load %arg6[%get3A_480, %get3A_481] {strides = array<i32>} : memref<128x128xf32, #tpu.memory_space<vmem>>, vector<1x16xf32>,
        %get3A_483 = vector.shape_cast %get3A_482 : vector<1x16xf32> to vector<16xf32>
        %add3A_484 = arith.addf %scan3A_449, %get3A_483 : vector<16xf32>
        %get3A_485 = arith.index_cast %scan3A_442 : i32 to index
        %get3A_486 = arith.constant 112 : index
        %get3A_487 = tpu.vector_load %arg6[%get3A_485, %get3A_486] {strides = array<i32>} : memref<128x128xf32, #tpu.memory_space<vmem>>, vector<1x16xf32>,
        %get3A_488 = vector.shape_cast %get3A_487 : vector<1x16xf32> to vector<16xf32>
        %add3A_489 = arith.addf %scan3A_450, %get3A_488 : vector<16xf32>
        scf.yield %add3A_454, %add3A_459, %add3A_464, %add3A_469, %add3A_474, %add3A_479, %add3A_484, %add3A_489 : vector<16xf32>, vector<16xf32>, vector<16xf32>, vector<16xf32>, vector<16xf32>, vector<16xf32>, vector<16xf32>, vector<16xf32>
      }
      %scan3A_65 = arith.constant 128 : i32
      %add3A_66 = arith.constant 4 : i32
      %add3A_67 = arith.addi %add3A_39, %add3A_66 : i32
      %lt3A = arith.constant 32 : i32
      %lt3A_68 = arith.cmpi slt, %add3A_67, %lt3A : i32
      %convert_element_type3A = arith.extui %lt3A_68 : i1 to i32
      %cond3A = arith.constant 0 : i32
      %cond3A_69 = arith.cmpi ne, %convert_element_type3A, %cond3A : i32
      scf.if %cond3A_69 {
        %dma_start3A_442 = arith.constant 0 : i32
        %dma_start3A_443 = tpu.memref_slice %arg5[%add3A_67, %dma_start3A_442] : memref<32x128xi32, #tpu.memory_space<vmem>> -> memref<1x128xi32, #tpu.memory_space<vmem>>
        %dma_start3A_444 = tpu.memref_squeeze %dma_start3A_443 : memref<1x128xi32, #tpu.memory_space<vmem>> -> memref<128xi32, #tpu.memory_space<vmem>>
        %dma_start3A_445 = arith.constant 0 : i32
        %dma_start3A_446 = arith.constant 0 : i32
        %dma_start3A_447 = tpu.memref_slice %arg2[%dma_start3A_445, %dma_start3A_446] : memref<100000x128xf32, #tpu.memory_space<hbm>> -> memref<100000x128xf32, #tpu.memory_space<hbm>>
        tpu.enqueue_indirect_dma source(%dma_start3A_447 : memref<100000x128xf32, #tpu.memory_space<hbm>>) target(%arg6 : memref<128x128xf32, #tpu.memory_space<vmem>>) offsets(%dma_start3A_444 : memref<128xi32, #tpu.memory_space<vmem>>) semaphore(%arg11 : memref<!tpu.dma_semaphore, #tpu.memory_space<semaphore_mem>>)
      } else {
      }
      %mul3A_70 = arith.constant 7.812500e-03 : f32
      %mul3A_71 = vector.broadcast %mul3A_70 : f32 to vector<16xf32>
      %mul3A_72 = arith.mulf %scan3A_64#0, %mul3A_71 : vector<16xf32>
      %swap3A = arith.index_cast %add3A_39 : i32 to index
      %swap3A_73 = arith.constant 0 : index
      %swap3A_74 = tpu.vector_load %arg10[%swap3A, %swap3A_73] {strides = array<i32>} : memref<32x128xf32, #tpu.memory_space<vmem>>, vector<1x16xf32>,
      %swap3A_75 = vector.shape_cast %swap3A_74 : vector<1x16xf32> to vector<16xf32>
      %swap3A_76 = vector.shape_cast %mul3A_72 : vector<16xf32> to vector<1x16xf32>
      tpu.vector_store %arg10[%swap3A, %swap3A_73], %swap3A_76 {strides = array<i32>} : memref<32x128xf32, #tpu.memory_space<vmem>>, vector<1x16xf32>,
      %mul3A_77 = arith.constant 7.812500e-03 : f32
      %mul3A_78 = vector.broadcast %mul3A_77 : f32 to vector<16xf32>
      %mul3A_79 = arith.mulf %scan3A_64#1, %mul3A_78 : vector<16xf32>
      %swap3A_80 = arith.index_cast %add3A_39 : i32 to index
      %swap3A_81 = arith.constant 16 : index
      %swap3A_82 = tpu.vector_load %arg10[%swap3A_80, %swap3A_81] {strides = array<i32>} : memref<32x128xf32, #tpu.memory_space<vmem>>, vector<1x16xf32>,
      %swap3A_83 = vector.shape_cast %swap3A_82 : vector<1x16xf32> to vector<16xf32>
      %swap3A_84 = vector.shape_cast %mul3A_79 : vector<16xf32> to vector<1x16xf32>
      tpu.vector_store %arg10[%swap3A_80, %swap3A_81], %swap3A_84 {strides = array<i32>} : memref<32x128xf32, #tpu.memory_space<vmem>>, vector<1x16xf32>,
      %mul3A_85 = arith.constant 7.812500e-03 : f32
      %mul3A_86 = vector.broadcast %mul3A_85 : f32 to vector<16xf32>
      %mul3A_87 = arith.mulf %scan3A_64#2, %mul3A_86 : vector<16xf32>
      %swap3A_88 = arith.index_cast %add3A_39 : i32 to index
      %swap3A_89 = arith.constant 32 : index
      %swap3A_90 = tpu.vector_load %arg10[%swap3A_88, %swap3A_89] {strides = array<i32>} : memref<32x128xf32, #tpu.memory_space<vmem>>, vector<1x16xf32>,
      %swap3A_91 = vector.shape_cast %swap3A_90 : vector<1x16xf32> to vector<16xf32>
      %swap3A_92 = vector.shape_cast %mul3A_87 : vector<16xf32> to vector<1x16xf32>
      tpu.vector_store %arg10[%swap3A_88, %swap3A_89], %swap3A_92 {strides = array<i32>} : memref<32x128xf32, #tpu.memory_space<vmem>>, vector<1x16xf32>,
      %mul3A_93 = arith.constant 7.812500e-03 : f32
      %mul3A_94 = vector.broadcast %mul3A_93 : f32 to vector<16xf32>
      %mul3A_95 = arith.mulf %scan3A_64#3, %mul3A_94 : vector<16xf32>
      %swap3A_96 = arith.index_cast %add3A_39 : i32 to index
      %swap3A_97 = arith.constant 48 : index
      %swap3A_98 = tpu.vector_load %arg10[%swap3A_96, %swap3A_97] {strides = array<i32>} : memref<32x128xf32, #tpu.memory_space<vmem>>, vector<1x16xf32>,
      %swap3A_99 = vector.shape_cast %swap3A_98 : vector<1x16xf32> to vector<16xf32>
      %swap3A_100 = vector.shape_cast %mul3A_95 : vector<16xf32> to vector<1x16xf32>
      tpu.vector_store %arg10[%swap3A_96, %swap3A_97], %swap3A_100 {strides = array<i32>} : memref<32x128xf32, #tpu.memory_space<vmem>>, vector<1x16xf32>,
      %mul3A_101 = arith.constant 7.812500e-03 : f32
      %mul3A_102 = vector.broadcast %mul3A_101 : f32 to vector<16xf32>
      %mul3A_103 = arith.mulf %scan3A_64#4, %mul3A_102 : vector<16xf32>
      %swap3A_104 = arith.index_cast %add3A_39 : i32 to index
      %swap3A_105 = arith.constant 64 : index
      %swap3A_106 = tpu.vector_load %arg10[%swap3A_104, %swap3A_105] {strides = array<i32>} : memref<32x128xf32, #tpu.memory_space<vmem>>, vector<1x16xf32>,
      %swap3A_107 = vector.shape_cast %swap3A_106 : vector<1x16xf32> to vector<16xf32>
      %swap3A_108 = vector.shape_cast %mul3A_103 : vector<16xf32> to vector<1x16xf32>
      tpu.vector_store %arg10[%swap3A_104, %swap3A_105], %swap3A_108 {strides = array<i32>} : memref<32x128xf32, #tpu.memory_space<vmem>>, vector<1x16xf32>,
      %mul3A_109 = arith.constant 7.812500e-03 : f32
      %mul3A_110 = vector.broadcast %mul3A_109 : f32 to vector<16xf32>
      %mul3A_111 = arith.mulf %scan3A_64#5, %mul3A_110 : vector<16xf32>
      %swap3A_112 = arith.index_cast %add3A_39 : i32 to index
      %swap3A_113 = arith.constant 80 : index
      %swap3A_114 = tpu.vector_load %arg10[%swap3A_112, %swap3A_113] {strides = array<i32>} : memref<32x128xf32, #tpu.memory_space<vmem>>, vector<1x16xf32>,
      %swap3A_115 = vector.shape_cast %swap3A_114 : vector<1x16xf32> to vector<16xf32>
      %swap3A_116 = vector.shape_cast %mul3A_111 : vector<16xf32> to vector<1x16xf32>
      tpu.vector_store %arg10[%swap3A_112, %swap3A_113], %swap3A_116 {strides = array<i32>} : memref<32x128xf32, #tpu.memory_space<vmem>>, vector<1x16xf32>,
      %mul3A_117 = arith.constant 7.812500e-03 : f32
      %mul3A_118 = vector.broadcast %mul3A_117 : f32 to vector<16xf32>
      %mul3A_119 = arith.mulf %scan3A_64#6, %mul3A_118 : vector<16xf32>
      %swap3A_120 = arith.index_cast %add3A_39 : i32 to index
      %swap3A_121 = arith.constant 96 : index
      %swap3A_122 = tpu.vector_load %arg10[%swap3A_120, %swap3A_121] {strides = array<i32>} : memref<32x128xf32, #tpu.memory_space<vmem>>, vector<1x16xf32>,
      %swap3A_123 = vector.shape_cast %swap3A_122 : vector<1x16xf32> to vector<16xf32>
      %swap3A_124 = vector.shape_cast %mul3A_119 : vector<16xf32> to vector<1x16xf32>
      tpu.vector_store %arg10[%swap3A_120, %swap3A_121], %swap3A_124 {strides = array<i32>} : memref<32x128xf32, #tpu.memory_space<vmem>>, vector<1x16xf32>,
      %mul3A_125 = arith.constant 7.812500e-03 : f32
      %mul3A_126 = vector.broadcast %mul3A_125 : f32 to vector<16xf32>
      %mul3A_127 = arith.mulf %scan3A_64#7, %mul3A_126 : vector<16xf32>
      %swap3A_128 = arith.index_cast %add3A_39 : i32 to index
      %swap3A_129 = arith.constant 112 : index
      %swap3A_130 = tpu.vector_load %arg10[%swap3A_128, %swap3A_129] {strides = array<i32>} : memref<32x128xf32, #tpu.memory_space<vmem>>, vector<1x16xf32>,
      %swap3A_131 = vector.shape_cast %swap3A_130 : vector<1x16xf32> to vector<16xf32>
      %swap3A_132 = vector.shape_cast %mul3A_127 : vector<16xf32> to vector<1x16xf32>
      tpu.vector_store %arg10[%swap3A_128, %swap3A_129], %swap3A_132 {strides = array<i32>} : memref<32x128xf32, #tpu.memory_space<vmem>>, vector<1x16xf32>,
      %mul3A_133 = arith.constant 4 : i32
      %mul3A_134 = arith.muli %scan3A_35, %mul3A_133 : i32
      %add3A_135 = arith.constant 1 : i32
      %add3A_136 = arith.addi %mul3A_134, %add3A_135 : i32
      %dma_wait3A_137 = arith.constant 0 : i32
      %dma_wait3A_138 = arith.constant 0 : i32
      %dma_wait3A_139 = tpu.memref_slice %arg2[%dma_wait3A_137, %dma_wait3A_138] : memref<100000x128xf32, #tpu.memory_space<hbm>> -> memref<128x128xf32, #tpu.memory_space<hbm>>
      %dma_wait3A_140 = arith.constant 0 : i32
      %dma_wait3A_141 = arith.constant 0 : i32
      %dma_wait3A_142 = tpu.memref_slice %arg2[%dma_wait3A_140, %dma_wait3A_141] : memref<100000x128xf32, #tpu.memory_space<hbm>> -> memref<128x128xf32, #tpu.memory_space<hbm>>
      tpu.wait_dma2 semaphore(%arg12 : memref<!tpu.dma_semaphore, #tpu.memory_space<semaphore_mem>>) src(%dma_wait3A_142 : memref<128x128xf32, #tpu.memory_space<hbm>>) dst(%arg7 : memref<128x128xf32, #tpu.memory_space<vmem>>)
      %broadcast_in_dim3A_143 = arith.constant 0.000000e+00 : f32
      %broadcast_in_dim3A_144 = vector.broadcast %broadcast_in_dim3A_143 : f32 to vector<16xf32>
      %broadcast_in_dim3A_145 = arith.constant 0.000000e+00 : f32
      %broadcast_in_dim3A_146 = vector.broadcast %broadcast_in_dim3A_145 : f32 to vector<16xf32>
      %broadcast_in_dim3A_147 = arith.constant 0.000000e+00 : f32
      %broadcast_in_dim3A_148 = vector.broadcast %broadcast_in_dim3A_147 : f32 to vector<16xf32>
      %broadcast_in_dim3A_149 = arith.constant 0.000000e+00 : f32
      %broadcast_in_dim3A_150 = vector.broadcast %broadcast_in_dim3A_149 : f32 to vector<16xf32>
      %broadcast_in_dim3A_151 = arith.constant 0.000000e+00 : f32
      %broadcast_in_dim3A_152 = vector.broadcast %broadcast_in_dim3A_151 : f32 to vector<16xf32>
      %broadcast_in_dim3A_153 = arith.constant 0.000000e+00 : f32
      %broadcast_in_dim3A_154 = vector.broadcast %broadcast_in_dim3A_153 : f32 to vector<16xf32>
      %broadcast_in_dim3A_155 = arith.constant 0.000000e+00 : f32
      %broadcast_in_dim3A_156 = vector.broadcast %broadcast_in_dim3A_155 : f32 to vector<16xf32>
      %broadcast_in_dim3A_157 = arith.constant 0.000000e+00 : f32
      %broadcast_in_dim3A_158 = vector.broadcast %broadcast_in_dim3A_157 : f32 to vector<16xf32>
      %scan3A_159 = arith.constant 0 : i32
      %scan3A_160 = arith.constant 128 : i32
      %scan3A_161 = arith.addi %scan3A_159, %scan3A_160 : i32
      %scan3A_162 = arith.constant 1 : i32
      %scan3A_163:8 = scf.for %scan3A_442 = %scan3A_159 to %scan3A_161 step %scan3A_162 iter_args(%scan3A_443 = %broadcast_in_dim3A_144, %scan3A_444 = %broadcast_in_dim3A_146, %scan3A_445 = %broadcast_in_dim3A_148, %scan3A_446 = %broadcast_in_dim3A_150, %scan3A_447 = %broadcast_in_dim3A_152, %scan3A_448 = %broadcast_in_dim3A_154, %scan3A_449 = %broadcast_in_dim3A_156, %scan3A_450 = %broadcast_in_dim3A_158) -> (vector<16xf32>, vector<16xf32>, vector<16xf32>, vector<16xf32>, vector<16xf32>, vector<16xf32>, vector<16xf32>, vector<16xf32>)  : i32 {
        %get3A = arith.index_cast %scan3A_442 : i32 to index
        %get3A_451 = arith.constant 0 : index
        %get3A_452 = tpu.vector_load %arg7[%get3A, %get3A_451] {strides = array<i32>} : memref<128x128xf32, #tpu.memory_space<vmem>>, vector<1x16xf32>,
        %get3A_453 = vector.shape_cast %get3A_452 : vector<1x16xf32> to vector<16xf32>
        %add3A_454 = arith.addf %scan3A_443, %get3A_453 : vector<16xf32>
        %get3A_455 = arith.index_cast %scan3A_442 : i32 to index
        %get3A_456 = arith.constant 16 : index
        %get3A_457 = tpu.vector_load %arg7[%get3A_455, %get3A_456] {strides = array<i32>} : memref<128x128xf32, #tpu.memory_space<vmem>>, vector<1x16xf32>,
        %get3A_458 = vector.shape_cast %get3A_457 : vector<1x16xf32> to vector<16xf32>
        %add3A_459 = arith.addf %scan3A_444, %get3A_458 : vector<16xf32>
        %get3A_460 = arith.index_cast %scan3A_442 : i32 to index
        %get3A_461 = arith.constant 32 : index
        %get3A_462 = tpu.vector_load %arg7[%get3A_460, %get3A_461] {strides = array<i32>} : memref<128x128xf32, #tpu.memory_space<vmem>>, vector<1x16xf32>,
        %get3A_463 = vector.shape_cast %get3A_462 : vector<1x16xf32> to vector<16xf32>
        %add3A_464 = arith.addf %scan3A_445, %get3A_463 : vector<16xf32>
        %get3A_465 = arith.index_cast %scan3A_442 : i32 to index
        %get3A_466 = arith.constant 48 : index
        %get3A_467 = tpu.vector_load %arg7[%get3A_465, %get3A_466] {strides = array<i32>} : memref<128x128xf32, #tpu.memory_space<vmem>>, vector<1x16xf32>,
        %get3A_468 = vector.shape_cast %get3A_467 : vector<1x16xf32> to vector<16xf32>
        %add3A_469 = arith.addf %scan3A_446, %get3A_468 : vector<16xf32>
        %get3A_470 = arith.index_cast %scan3A_442 : i32 to index
        %get3A_471 = arith.constant 64 : index
        %get3A_472 = tpu.vector_load %arg7[%get3A_470, %get3A_471] {strides = array<i32>} : memref<128x128xf32, #tpu.memory_space<vmem>>, vector<1x16xf32>,
        %get3A_473 = vector.shape_cast %get3A_472 : vector<1x16xf32> to vector<16xf32>
        %add3A_474 = arith.addf %scan3A_447, %get3A_473 : vector<16xf32>
        %get3A_475 = arith.index_cast %scan3A_442 : i32 to index
        %get3A_476 = arith.constant 80 : index
        %get3A_477 = tpu.vector_load %arg7[%get3A_475, %get3A_476] {strides = array<i32>} : memref<128x128xf32, #tpu.memory_space<vmem>>, vector<1x16xf32>,
        %get3A_478 = vector.shape_cast %get3A_477 : vector<1x16xf32> to vector<16xf32>
        %add3A_479 = arith.addf %scan3A_448, %get3A_478 : vector<16xf32>
        %get3A_480 = arith.index_cast %scan3A_442 : i32 to index
        %get3A_481 = arith.constant 96 : index
        %get3A_482 = tpu.vector_load %arg7[%get3A_480, %get3A_481] {strides = array<i32>} : memref<128x128xf32, #tpu.memory_space<vmem>>, vector<1x16xf32>,
        %get3A_483 = vector.shape_cast %get3A_482 : vector<1x16xf32> to vector<16xf32>
        %add3A_484 = arith.addf %scan3A_449, %get3A_483 : vector<16xf32>
        %get3A_485 = arith.index_cast %scan3A_442 : i32 to index
        %get3A_486 = arith.constant 112 : index
        %get3A_487 = tpu.vector_load %arg7[%get3A_485, %get3A_486] {strides = array<i32>} : memref<128x128xf32, #tpu.memory_space<vmem>>, vector<1x16xf32>,
        %get3A_488 = vector.shape_cast %get3A_487 : vector<1x16xf32> to vector<16xf32>
        %add3A_489 = arith.addf %scan3A_450, %get3A_488 : vector<16xf32>
        scf.yield %add3A_454, %add3A_459, %add3A_464, %add3A_469, %add3A_474, %add3A_479, %add3A_484, %add3A_489 : vector<16xf32>, vector<16xf32>, vector<16xf32>, vector<16xf32>, vector<16xf32>, vector<16xf32>, vector<16xf32>, vector<16xf32>
      }
      %scan3A_164 = arith.constant 128 : i32
      %add3A_165 = arith.constant 4 : i32
      %add3A_166 = arith.addi %add3A_136, %add3A_165 : i32
      %lt3A_167 = arith.constant 32 : i32
      %lt3A_168 = arith.cmpi slt, %add3A_166, %lt3A_167 : i32
      %convert_element_type3A_169 = arith.extui %lt3A_168 : i1 to i32
      %cond3A_170 = arith.constant 0 : i32
      %cond3A_171 = arith.cmpi ne, %convert_element_type3A_169, %cond3A_170 : i32
      scf.if %cond3A_171 {
        %dma_start3A_442 = arith.constant 0 : i32
        %dma_start3A_443 = tpu.memref_slice %arg5[%add3A_166, %dma_start3A_442] : memref<32x128xi32, #tpu.memory_space<vmem>> -> memref<1x128xi32, #tpu.memory_space<vmem>>
        %dma_start3A_444 = tpu.memref_squeeze %dma_start3A_443 : memref<1x128xi32, #tpu.memory_space<vmem>> -> memref<128xi32, #tpu.memory_space<vmem>>
        %dma_start3A_445 = arith.constant 0 : i32
        %dma_start3A_446 = arith.constant 0 : i32
        %dma_start3A_447 = tpu.memref_slice %arg2[%dma_start3A_445, %dma_start3A_446] : memref<100000x128xf32, #tpu.memory_space<hbm>> -> memref<100000x128xf32, #tpu.memory_space<hbm>>
        tpu.enqueue_indirect_dma source(%dma_start3A_447 : memref<100000x128xf32, #tpu.memory_space<hbm>>) target(%arg7 : memref<128x128xf32, #tpu.memory_space<vmem>>) offsets(%dma_start3A_444 : memref<128xi32, #tpu.memory_space<vmem>>) semaphore(%arg12 : memref<!tpu.dma_semaphore, #tpu.memory_space<semaphore_mem>>)
      } else {
      }
      %mul3A_172 = arith.constant 7.812500e-03 : f32
      %mul3A_173 = vector.broadcast %mul3A_172 : f32 to vector<16xf32>
      %mul3A_174 = arith.mulf %scan3A_163#0, %mul3A_173 : vector<16xf32>
      %swap3A_175 = arith.index_cast %add3A_136 : i32 to index
      %swap3A_176 = arith.constant 0 : index
      %swap3A_177 = tpu.vector_load %arg10[%swap3A_175, %swap3A_176] {strides = array<i32>} : memref<32x128xf32, #tpu.memory_space<vmem>>, vector<1x16xf32>,
      %swap3A_178 = vector.shape_cast %swap3A_177 : vector<1x16xf32> to vector<16xf32>
      %swap3A_179 = vector.shape_cast %mul3A_174 : vector<16xf32> to vector<1x16xf32>
      tpu.vector_store %arg10[%swap3A_175, %swap3A_176], %swap3A_179 {strides = array<i32>} : memref<32x128xf32, #tpu.memory_space<vmem>>, vector<1x16xf32>,
      %mul3A_180 = arith.constant 7.812500e-03 : f32
      %mul3A_181 = vector.broadcast %mul3A_180 : f32 to vector<16xf32>
      %mul3A_182 = arith.mulf %scan3A_163#1, %mul3A_181 : vector<16xf32>
      %swap3A_183 = arith.index_cast %add3A_136 : i32 to index
      %swap3A_184 = arith.constant 16 : index
      %swap3A_185 = tpu.vector_load %arg10[%swap3A_183, %swap3A_184] {strides = array<i32>} : memref<32x128xf32, #tpu.memory_space<vmem>>, vector<1x16xf32>,
      %swap3A_186 = vector.shape_cast %swap3A_185 : vector<1x16xf32> to vector<16xf32>
      %swap3A_187 = vector.shape_cast %mul3A_182 : vector<16xf32> to vector<1x16xf32>
      tpu.vector_store %arg10[%swap3A_183, %swap3A_184], %swap3A_187 {strides = array<i32>} : memref<32x128xf32, #tpu.memory_space<vmem>>, vector<1x16xf32>,
      %mul3A_188 = arith.constant 7.812500e-03 : f32
      %mul3A_189 = vector.broadcast %mul3A_188 : f32 to vector<16xf32>
      %mul3A_190 = arith.mulf %scan3A_163#2, %mul3A_189 : vector<16xf32>
      %swap3A_191 = arith.index_cast %add3A_136 : i32 to index
      %swap3A_192 = arith.constant 32 : index
      %swap3A_193 = tpu.vector_load %arg10[%swap3A_191, %swap3A_192] {strides = array<i32>} : memref<32x128xf32, #tpu.memory_space<vmem>>, vector<1x16xf32>,
      %swap3A_194 = vector.shape_cast %swap3A_193 : vector<1x16xf32> to vector<16xf32>
      %swap3A_195 = vector.shape_cast %mul3A_190 : vector<16xf32> to vector<1x16xf32>
      tpu.vector_store %arg10[%swap3A_191, %swap3A_192], %swap3A_195 {strides = array<i32>} : memref<32x128xf32, #tpu.memory_space<vmem>>, vector<1x16xf32>,
      %mul3A_196 = arith.constant 7.812500e-03 : f32
      %mul3A_197 = vector.broadcast %mul3A_196 : f32 to vector<16xf32>
      %mul3A_198 = arith.mulf %scan3A_163#3, %mul3A_197 : vector<16xf32>
      %swap3A_199 = arith.index_cast %add3A_136 : i32 to index
      %swap3A_200 = arith.constant 48 : index
      %swap3A_201 = tpu.vector_load %arg10[%swap3A_199, %swap3A_200] {strides = array<i32>} : memref<32x128xf32, #tpu.memory_space<vmem>>, vector<1x16xf32>,
      %swap3A_202 = vector.shape_cast %swap3A_201 : vector<1x16xf32> to vector<16xf32>
      %swap3A_203 = vector.shape_cast %mul3A_198 : vector<16xf32> to vector<1x16xf32>
      tpu.vector_store %arg10[%swap3A_199, %swap3A_200], %swap3A_203 {strides = array<i32>} : memref<32x128xf32, #tpu.memory_space<vmem>>, vector<1x16xf32>,
      %mul3A_204 = arith.constant 7.812500e-03 : f32
      %mul3A_205 = vector.broadcast %mul3A_204 : f32 to vector<16xf32>
      %mul3A_206 = arith.mulf %scan3A_163#4, %mul3A_205 : vector<16xf32>
      %swap3A_207 = arith.index_cast %add3A_136 : i32 to index
      %swap3A_208 = arith.constant 64 : index
      %swap3A_209 = tpu.vector_load %arg10[%swap3A_207, %swap3A_208] {strides = array<i32>} : memref<32x128xf32, #tpu.memory_space<vmem>>, vector<1x16xf32>,
      %swap3A_210 = vector.shape_cast %swap3A_209 : vector<1x16xf32> to vector<16xf32>
      %swap3A_211 = vector.shape_cast %mul3A_206 : vector<16xf32> to vector<1x16xf32>
      tpu.vector_store %arg10[%swap3A_207, %swap3A_208], %swap3A_211 {strides = array<i32>} : memref<32x128xf32, #tpu.memory_space<vmem>>, vector<1x16xf32>,
      %mul3A_212 = arith.constant 7.812500e-03 : f32
      %mul3A_213 = vector.broadcast %mul3A_212 : f32 to vector<16xf32>
      %mul3A_214 = arith.mulf %scan3A_163#5, %mul3A_213 : vector<16xf32>
      %swap3A_215 = arith.index_cast %add3A_136 : i32 to index
      %swap3A_216 = arith.constant 80 : index
      %swap3A_217 = tpu.vector_load %arg10[%swap3A_215, %swap3A_216] {strides = array<i32>} : memref<32x128xf32, #tpu.memory_space<vmem>>, vector<1x16xf32>,
      %swap3A_218 = vector.shape_cast %swap3A_217 : vector<1x16xf32> to vector<16xf32>
      %swap3A_219 = vector.shape_cast %mul3A_214 : vector<16xf32> to vector<1x16xf32>
      tpu.vector_store %arg10[%swap3A_215, %swap3A_216], %swap3A_219 {strides = array<i32>} : memref<32x128xf32, #tpu.memory_space<vmem>>, vector<1x16xf32>,
      %mul3A_220 = arith.constant 7.812500e-03 : f32
      %mul3A_221 = vector.broadcast %mul3A_220 : f32 to vector<16xf32>
      %mul3A_222 = arith.mulf %scan3A_163#6, %mul3A_221 : vector<16xf32>
      %swap3A_223 = arith.index_cast %add3A_136 : i32 to index
      %swap3A_224 = arith.constant 96 : index
      %swap3A_225 = tpu.vector_load %arg10[%swap3A_223, %swap3A_224] {strides = array<i32>} : memref<32x128xf32, #tpu.memory_space<vmem>>, vector<1x16xf32>,
      %swap3A_226 = vector.shape_cast %swap3A_225 : vector<1x16xf32> to vector<16xf32>
      %swap3A_227 = vector.shape_cast %mul3A_222 : vector<16xf32> to vector<1x16xf32>
      tpu.vector_store %arg10[%swap3A_223, %swap3A_224], %swap3A_227 {strides = array<i32>} : memref<32x128xf32, #tpu.memory_space<vmem>>, vector<1x16xf32>,
      %mul3A_228 = arith.constant 7.812500e-03 : f32
      %mul3A_229 = vector.broadcast %mul3A_228 : f32 to vector<16xf32>
      %mul3A_230 = arith.mulf %scan3A_163#7, %mul3A_229 : vector<16xf32>
      %swap3A_231 = arith.index_cast %add3A_136 : i32 to index
      %swap3A_232 = arith.constant 112 : index
      %swap3A_233 = tpu.vector_load %arg10[%swap3A_231, %swap3A_232] {strides = array<i32>} : memref<32x128xf32, #tpu.memory_space<vmem>>, vector<1x16xf32>,
      %swap3A_234 = vector.shape_cast %swap3A_233 : vector<1x16xf32> to vector<16xf32>
      %swap3A_235 = vector.shape_cast %mul3A_230 : vector<16xf32> to vector<1x16xf32>
      tpu.vector_store %arg10[%swap3A_231, %swap3A_232], %swap3A_235 {strides = array<i32>} : memref<32x128xf32, #tpu.memory_space<vmem>>, vector<1x16xf32>,
      %mul3A_236 = arith.constant 4 : i32
      %mul3A_237 = arith.muli %scan3A_35, %mul3A_236 : i32
      %add3A_238 = arith.constant 2 : i32
      %add3A_239 = arith.addi %mul3A_237, %add3A_238 : i32
      %dma_wait3A_240 = arith.constant 0 : i32
      %dma_wait3A_241 = arith.constant 0 : i32
      %dma_wait3A_242 = tpu.memref_slice %arg2[%dma_wait3A_240, %dma_wait3A_241] : memref<100000x128xf32, #tpu.memory_space<hbm>> -> memref<128x128xf32, #tpu.memory_space<hbm>>
      %dma_wait3A_243 = arith.constant 0 : i32
      %dma_wait3A_244 = arith.constant 0 : i32
      %dma_wait3A_245 = tpu.memref_slice %arg2[%dma_wait3A_243, %dma_wait3A_244] : memref<100000x128xf32, #tpu.memory_space<hbm>> -> memref<128x128xf32, #tpu.memory_space<hbm>>
      tpu.wait_dma2 semaphore(%arg13 : memref<!tpu.dma_semaphore, #tpu.memory_space<semaphore_mem>>) src(%dma_wait3A_245 : memref<128x128xf32, #tpu.memory_space<hbm>>) dst(%arg8 : memref<128x128xf32, #tpu.memory_space<vmem>>)
      %broadcast_in_dim3A_246 = arith.constant 0.000000e+00 : f32
      %broadcast_in_dim3A_247 = vector.broadcast %broadcast_in_dim3A_246 : f32 to vector<16xf32>
      %broadcast_in_dim3A_248 = arith.constant 0.000000e+00 : f32
      %broadcast_in_dim3A_249 = vector.broadcast %broadcast_in_dim3A_248 : f32 to vector<16xf32>
      %broadcast_in_dim3A_250 = arith.constant 0.000000e+00 : f32
      %broadcast_in_dim3A_251 = vector.broadcast %broadcast_in_dim3A_250 : f32 to vector<16xf32>
      %broadcast_in_dim3A_252 = arith.constant 0.000000e+00 : f32
      %broadcast_in_dim3A_253 = vector.broadcast %broadcast_in_dim3A_252 : f32 to vector<16xf32>
      %broadcast_in_dim3A_254 = arith.constant 0.000000e+00 : f32
      %broadcast_in_dim3A_255 = vector.broadcast %broadcast_in_dim3A_254 : f32 to vector<16xf32>
      %broadcast_in_dim3A_256 = arith.constant 0.000000e+00 : f32
      %broadcast_in_dim3A_257 = vector.broadcast %broadcast_in_dim3A_256 : f32 to vector<16xf32>
      %broadcast_in_dim3A_258 = arith.constant 0.000000e+00 : f32
      %broadcast_in_dim3A_259 = vector.broadcast %broadcast_in_dim3A_258 : f32 to vector<16xf32>
      %broadcast_in_dim3A_260 = arith.constant 0.000000e+00 : f32
      %broadcast_in_dim3A_261 = vector.broadcast %broadcast_in_dim3A_260 : f32 to vector<16xf32>
      %scan3A_262 = arith.constant 0 : i32
      %scan3A_263 = arith.constant 128 : i32
      %scan3A_264 = arith.addi %scan3A_262, %scan3A_263 : i32
      %scan3A_265 = arith.constant 1 : i32
      %scan3A_266:8 = scf.for %scan3A_442 = %scan3A_262 to %scan3A_264 step %scan3A_265 iter_args(%scan3A_443 = %broadcast_in_dim3A_247, %scan3A_444 = %broadcast_in_dim3A_249, %scan3A_445 = %broadcast_in_dim3A_251, %scan3A_446 = %broadcast_in_dim3A_253, %scan3A_447 = %broadcast_in_dim3A_255, %scan3A_448 = %broadcast_in_dim3A_257, %scan3A_449 = %broadcast_in_dim3A_259, %scan3A_450 = %broadcast_in_dim3A_261) -> (vector<16xf32>, vector<16xf32>, vector<16xf32>, vector<16xf32>, vector<16xf32>, vector<16xf32>, vector<16xf32>, vector<16xf32>)  : i32 {
        %get3A = arith.index_cast %scan3A_442 : i32 to index
        %get3A_451 = arith.constant 0 : index
        %get3A_452 = tpu.vector_load %arg8[%get3A, %get3A_451] {strides = array<i32>} : memref<128x128xf32, #tpu.memory_space<vmem>>, vector<1x16xf32>,
        %get3A_453 = vector.shape_cast %get3A_452 : vector<1x16xf32> to vector<16xf32>
        %add3A_454 = arith.addf %scan3A_443, %get3A_453 : vector<16xf32>
        %get3A_455 = arith.index_cast %scan3A_442 : i32 to index
        %get3A_456 = arith.constant 16 : index
        %get3A_457 = tpu.vector_load %arg8[%get3A_455, %get3A_456] {strides = array<i32>} : memref<128x128xf32, #tpu.memory_space<vmem>>, vector<1x16xf32>,
        %get3A_458 = vector.shape_cast %get3A_457 : vector<1x16xf32> to vector<16xf32>
        %add3A_459 = arith.addf %scan3A_444, %get3A_458 : vector<16xf32>
        %get3A_460 = arith.index_cast %scan3A_442 : i32 to index
        %get3A_461 = arith.constant 32 : index
        %get3A_462 = tpu.vector_load %arg8[%get3A_460, %get3A_461] {strides = array<i32>} : memref<128x128xf32, #tpu.memory_space<vmem>>, vector<1x16xf32>,
        %get3A_463 = vector.shape_cast %get3A_462 : vector<1x16xf32> to vector<16xf32>
        %add3A_464 = arith.addf %scan3A_445, %get3A_463 : vector<16xf32>
        %get3A_465 = arith.index_cast %scan3A_442 : i32 to index
        %get3A_466 = arith.constant 48 : index
        %get3A_467 = tpu.vector_load %arg8[%get3A_465, %get3A_466] {strides = array<i32>} : memref<128x128xf32, #tpu.memory_space<vmem>>, vector<1x16xf32>,
        %get3A_468 = vector.shape_cast %get3A_467 : vector<1x16xf32> to vector<16xf32>
        %add3A_469 = arith.addf %scan3A_446, %get3A_468 : vector<16xf32>
        %get3A_470 = arith.index_cast %scan3A_442 : i32 to index
        %get3A_471 = arith.constant 64 : index
        %get3A_472 = tpu.vector_load %arg8[%get3A_470, %get3A_471] {strides = array<i32>} : memref<128x128xf32, #tpu.memory_space<vmem>>, vector<1x16xf32>,
        %get3A_473 = vector.shape_cast %get3A_472 : vector<1x16xf32> to vector<16xf32>
        %add3A_474 = arith.addf %scan3A_447, %get3A_473 : vector<16xf32>
        %get3A_475 = arith.index_cast %scan3A_442 : i32 to index
        %get3A_476 = arith.constant 80 : index
        %get3A_477 = tpu.vector_load %arg8[%get3A_475, %get3A_476] {strides = array<i32>} : memref<128x128xf32, #tpu.memory_space<vmem>>, vector<1x16xf32>,
        %get3A_478 = vector.shape_cast %get3A_477 : vector<1x16xf32> to vector<16xf32>
        %add3A_479 = arith.addf %scan3A_448, %get3A_478 : vector<16xf32>
        %get3A_480 = arith.index_cast %scan3A_442 : i32 to index
        %get3A_481 = arith.constant 96 : index
        %get3A_482 = tpu.vector_load %arg8[%get3A_480, %get3A_481] {strides = array<i32>} : memref<128x128xf32, #tpu.memory_space<vmem>>, vector<1x16xf32>,
        %get3A_483 = vector.shape_cast %get3A_482 : vector<1x16xf32> to vector<16xf32>
        %add3A_484 = arith.addf %scan3A_449, %get3A_483 : vector<16xf32>
        %get3A_485 = arith.index_cast %scan3A_442 : i32 to index
        %get3A_486 = arith.constant 112 : index
        %get3A_487 = tpu.vector_load %arg8[%get3A_485, %get3A_486] {strides = array<i32>} : memref<128x128xf32, #tpu.memory_space<vmem>>, vector<1x16xf32>,
        %get3A_488 = vector.shape_cast %get3A_487 : vector<1x16xf32> to vector<16xf32>
        %add3A_489 = arith.addf %scan3A_450, %get3A_488 : vector<16xf32>
        scf.yield %add3A_454, %add3A_459, %add3A_464, %add3A_469, %add3A_474, %add3A_479, %add3A_484, %add3A_489 : vector<16xf32>, vector<16xf32>, vector<16xf32>, vector<16xf32>, vector<16xf32>, vector<16xf32>, vector<16xf32>, vector<16xf32>
      }
      %scan3A_267 = arith.constant 128 : i32
      %add3A_268 = arith.constant 4 : i32
      %add3A_269 = arith.addi %add3A_239, %add3A_268 : i32
      %lt3A_270 = arith.constant 32 : i32
      %lt3A_271 = arith.cmpi slt, %add3A_269, %lt3A_270 : i32
      %convert_element_type3A_272 = arith.extui %lt3A_271 : i1 to i32
      %cond3A_273 = arith.constant 0 : i32
      %cond3A_274 = arith.cmpi ne, %convert_element_type3A_272, %cond3A_273 : i32
      scf.if %cond3A_274 {
        %dma_start3A_442 = arith.constant 0 : i32
        %dma_start3A_443 = tpu.memref_slice %arg5[%add3A_269, %dma_start3A_442] : memref<32x128xi32, #tpu.memory_space<vmem>> -> memref<1x128xi32, #tpu.memory_space<vmem>>
        %dma_start3A_444 = tpu.memref_squeeze %dma_start3A_443 : memref<1x128xi32, #tpu.memory_space<vmem>> -> memref<128xi32, #tpu.memory_space<vmem>>
        %dma_start3A_445 = arith.constant 0 : i32
        %dma_start3A_446 = arith.constant 0 : i32
        %dma_start3A_447 = tpu.memref_slice %arg2[%dma_start3A_445, %dma_start3A_446] : memref<100000x128xf32, #tpu.memory_space<hbm>> -> memref<100000x128xf32, #tpu.memory_space<hbm>>
        tpu.enqueue_indirect_dma source(%dma_start3A_447 : memref<100000x128xf32, #tpu.memory_space<hbm>>) target(%arg8 : memref<128x128xf32, #tpu.memory_space<vmem>>) offsets(%dma_start3A_444 : memref<128xi32, #tpu.memory_space<vmem>>) semaphore(%arg13 : memref<!tpu.dma_semaphore, #tpu.memory_space<semaphore_mem>>)
      } else {
      }
      %mul3A_275 = arith.constant 7.812500e-03 : f32
      %mul3A_276 = vector.broadcast %mul3A_275 : f32 to vector<16xf32>
      %mul3A_277 = arith.mulf %scan3A_266#0, %mul3A_276 : vector<16xf32>
      %swap3A_278 = arith.index_cast %add3A_239 : i32 to index
      %swap3A_279 = arith.constant 0 : index
      %swap3A_280 = tpu.vector_load %arg10[%swap3A_278, %swap3A_279] {strides = array<i32>} : memref<32x128xf32, #tpu.memory_space<vmem>>, vector<1x16xf32>,
      %swap3A_281 = vector.shape_cast %swap3A_280 : vector<1x16xf32> to vector<16xf32>
      %swap3A_282 = vector.shape_cast %mul3A_277 : vector<16xf32> to vector<1x16xf32>
      tpu.vector_store %arg10[%swap3A_278, %swap3A_279], %swap3A_282 {strides = array<i32>} : memref<32x128xf32, #tpu.memory_space<vmem>>, vector<1x16xf32>,
      %mul3A_283 = arith.constant 7.812500e-03 : f32
      %mul3A_284 = vector.broadcast %mul3A_283 : f32 to vector<16xf32>
      %mul3A_285 = arith.mulf %scan3A_266#1, %mul3A_284 : vector<16xf32>
      %swap3A_286 = arith.index_cast %add3A_239 : i32 to index
      %swap3A_287 = arith.constant 16 : index
      %swap3A_288 = tpu.vector_load %arg10[%swap3A_286, %swap3A_287] {strides = array<i32>} : memref<32x128xf32, #tpu.memory_space<vmem>>, vector<1x16xf32>,
      %swap3A_289 = vector.shape_cast %swap3A_288 : vector<1x16xf32> to vector<16xf32>
      %swap3A_290 = vector.shape_cast %mul3A_285 : vector<16xf32> to vector<1x16xf32>
      tpu.vector_store %arg10[%swap3A_286, %swap3A_287], %swap3A_290 {strides = array<i32>} : memref<32x128xf32, #tpu.memory_space<vmem>>, vector<1x16xf32>,
      %mul3A_291 = arith.constant 7.812500e-03 : f32
      %mul3A_292 = vector.broadcast %mul3A_291 : f32 to vector<16xf32>
      %mul3A_293 = arith.mulf %scan3A_266#2, %mul3A_292 : vector<16xf32>
      %swap3A_294 = arith.index_cast %add3A_239 : i32 to index
      %swap3A_295 = arith.constant 32 : index
      %swap3A_296 = tpu.vector_load %arg10[%swap3A_294, %swap3A_295] {strides = array<i32>} : memref<32x128xf32, #tpu.memory_space<vmem>>, vector<1x16xf32>,
      %swap3A_297 = vector.shape_cast %swap3A_296 : vector<1x16xf32> to vector<16xf32>
      %swap3A_298 = vector.shape_cast %mul3A_293 : vector<16xf32> to vector<1x16xf32>
      tpu.vector_store %arg10[%swap3A_294, %swap3A_295], %swap3A_298 {strides = array<i32>} : memref<32x128xf32, #tpu.memory_space<vmem>>, vector<1x16xf32>,
      %mul3A_299 = arith.constant 7.812500e-03 : f32
      %mul3A_300 = vector.broadcast %mul3A_299 : f32 to vector<16xf32>
      %mul3A_301 = arith.mulf %scan3A_266#3, %mul3A_300 : vector<16xf32>
      %swap3A_302 = arith.index_cast %add3A_239 : i32 to index
      %swap3A_303 = arith.constant 48 : index
      %swap3A_304 = tpu.vector_load %arg10[%swap3A_302, %swap3A_303] {strides = array<i32>} : memref<32x128xf32, #tpu.memory_space<vmem>>, vector<1x16xf32>,
      %swap3A_305 = vector.shape_cast %swap3A_304 : vector<1x16xf32> to vector<16xf32>
      %swap3A_306 = vector.shape_cast %mul3A_301 : vector<16xf32> to vector<1x16xf32>
      tpu.vector_store %arg10[%swap3A_302, %swap3A_303], %swap3A_306 {strides = array<i32>} : memref<32x128xf32, #tpu.memory_space<vmem>>, vector<1x16xf32>,
      %mul3A_307 = arith.constant 7.812500e-03 : f32
      %mul3A_308 = vector.broadcast %mul3A_307 : f32 to vector<16xf32>
      %mul3A_309 = arith.mulf %scan3A_266#4, %mul3A_308 : vector<16xf32>
      %swap3A_310 = arith.index_cast %add3A_239 : i32 to index
      %swap3A_311 = arith.constant 64 : index
      %swap3A_312 = tpu.vector_load %arg10[%swap3A_310, %swap3A_311] {strides = array<i32>} : memref<32x128xf32, #tpu.memory_space<vmem>>, vector<1x16xf32>,
      %swap3A_313 = vector.shape_cast %swap3A_312 : vector<1x16xf32> to vector<16xf32>
      %swap3A_314 = vector.shape_cast %mul3A_309 : vector<16xf32> to vector<1x16xf32>
      tpu.vector_store %arg10[%swap3A_310, %swap3A_311], %swap3A_314 {strides = array<i32>} : memref<32x128xf32, #tpu.memory_space<vmem>>, vector<1x16xf32>,
      %mul3A_315 = arith.constant 7.812500e-03 : f32
      %mul3A_316 = vector.broadcast %mul3A_315 : f32 to vector<16xf32>
      %mul3A_317 = arith.mulf %scan3A_266#5, %mul3A_316 : vector<16xf32>
      %swap3A_318 = arith.index_cast %add3A_239 : i32 to index
      %swap3A_319 = arith.constant 80 : index
      %swap3A_320 = tpu.vector_load %arg10[%swap3A_318, %swap3A_319] {strides = array<i32>} : memref<32x128xf32, #tpu.memory_space<vmem>>, vector<1x16xf32>,
      %swap3A_321 = vector.shape_cast %swap3A_320 : vector<1x16xf32> to vector<16xf32>
      %swap3A_322 = vector.shape_cast %mul3A_317 : vector<16xf32> to vector<1x16xf32>
      tpu.vector_store %arg10[%swap3A_318, %swap3A_319], %swap3A_322 {strides = array<i32>} : memref<32x128xf32, #tpu.memory_space<vmem>>, vector<1x16xf32>,
      %mul3A_323 = arith.constant 7.812500e-03 : f32
      %mul3A_324 = vector.broadcast %mul3A_323 : f32 to vector<16xf32>
      %mul3A_325 = arith.mulf %scan3A_266#6, %mul3A_324 : vector<16xf32>
      %swap3A_326 = arith.index_cast %add3A_239 : i32 to index
      %swap3A_327 = arith.constant 96 : index
      %swap3A_328 = tpu.vector_load %arg10[%swap3A_326, %swap3A_327] {strides = array<i32>} : memref<32x128xf32, #tpu.memory_space<vmem>>, vector<1x16xf32>,
      %swap3A_329 = vector.shape_cast %swap3A_328 : vector<1x16xf32> to vector<16xf32>
      %swap3A_330 = vector.shape_cast %mul3A_325 : vector<16xf32> to vector<1x16xf32>
      tpu.vector_store %arg10[%swap3A_326, %swap3A_327], %swap3A_330 {strides = array<i32>} : memref<32x128xf32, #tpu.memory_space<vmem>>, vector<1x16xf32>,
      %mul3A_331 = arith.constant 7.812500e-03 : f32
      %mul3A_332 = vector.broadcast %mul3A_331 : f32 to vector<16xf32>
      %mul3A_333 = arith.mulf %scan3A_266#7, %mul3A_332 : vector<16xf32>
      %swap3A_334 = arith.index_cast %add3A_239 : i32 to index
      %swap3A_335 = arith.constant 112 : index
      %swap3A_336 = tpu.vector_load %arg10[%swap3A_334, %swap3A_335] {strides = array<i32>} : memref<32x128xf32, #tpu.memory_space<vmem>>, vector<1x16xf32>,
      %swap3A_337 = vector.shape_cast %swap3A_336 : vector<1x16xf32> to vector<16xf32>
      %swap3A_338 = vector.shape_cast %mul3A_333 : vector<16xf32> to vector<1x16xf32>
      tpu.vector_store %arg10[%swap3A_334, %swap3A_335], %swap3A_338 {strides = array<i32>} : memref<32x128xf32, #tpu.memory_space<vmem>>, vector<1x16xf32>,
      %mul3A_339 = arith.constant 4 : i32
      %mul3A_340 = arith.muli %scan3A_35, %mul3A_339 : i32
      %add3A_341 = arith.constant 3 : i32
      %add3A_342 = arith.addi %mul3A_340, %add3A_341 : i32
      %dma_wait3A_343 = arith.constant 0 : i32
      %dma_wait3A_344 = arith.constant 0 : i32
      %dma_wait3A_345 = tpu.memref_slice %arg2[%dma_wait3A_343, %dma_wait3A_344] : memref<100000x128xf32, #tpu.memory_space<hbm>> -> memref<128x128xf32, #tpu.memory_space<hbm>>
      %dma_wait3A_346 = arith.constant 0 : i32
      %dma_wait3A_347 = arith.constant 0 : i32
      %dma_wait3A_348 = tpu.memref_slice %arg2[%dma_wait3A_346, %dma_wait3A_347] : memref<100000x128xf32, #tpu.memory_space<hbm>> -> memref<128x128xf32, #tpu.memory_space<hbm>>
      tpu.wait_dma2 semaphore(%arg14 : memref<!tpu.dma_semaphore, #tpu.memory_space<semaphore_mem>>) src(%dma_wait3A_348 : memref<128x128xf32, #tpu.memory_space<hbm>>) dst(%arg9 : memref<128x128xf32, #tpu.memory_space<vmem>>)
      %broadcast_in_dim3A_349 = arith.constant 0.000000e+00 : f32
      %broadcast_in_dim3A_350 = vector.broadcast %broadcast_in_dim3A_349 : f32 to vector<16xf32>
      %broadcast_in_dim3A_351 = arith.constant 0.000000e+00 : f32
      %broadcast_in_dim3A_352 = vector.broadcast %broadcast_in_dim3A_351 : f32 to vector<16xf32>
      %broadcast_in_dim3A_353 = arith.constant 0.000000e+00 : f32
      %broadcast_in_dim3A_354 = vector.broadcast %broadcast_in_dim3A_353 : f32 to vector<16xf32>
      %broadcast_in_dim3A_355 = arith.constant 0.000000e+00 : f32
      %broadcast_in_dim3A_356 = vector.broadcast %broadcast_in_dim3A_355 : f32 to vector<16xf32>
      %broadcast_in_dim3A_357 = arith.constant 0.000000e+00 : f32
      %broadcast_in_dim3A_358 = vector.broadcast %broadcast_in_dim3A_357 : f32 to vector<16xf32>
      %broadcast_in_dim3A_359 = arith.constant 0.000000e+00 : f32
      %broadcast_in_dim3A_360 = vector.broadcast %broadcast_in_dim3A_359 : f32 to vector<16xf32>
      %broadcast_in_dim3A_361 = arith.constant 0.000000e+00 : f32
      %broadcast_in_dim3A_362 = vector.broadcast %broadcast_in_dim3A_361 : f32 to vector<16xf32>
      %broadcast_in_dim3A_363 = arith.constant 0.000000e+00 : f32
      %broadcast_in_dim3A_364 = vector.broadcast %broadcast_in_dim3A_363 : f32 to vector<16xf32>
      %scan3A_365 = arith.constant 0 : i32
      %scan3A_366 = arith.constant 128 : i32
      %scan3A_367 = arith.addi %scan3A_365, %scan3A_366 : i32
      %scan3A_368 = arith.constant 1 : i32
      %scan3A_369:8 = scf.for %scan3A_442 = %scan3A_365 to %scan3A_367 step %scan3A_368 iter_args(%scan3A_443 = %broadcast_in_dim3A_350, %scan3A_444 = %broadcast_in_dim3A_352, %scan3A_445 = %broadcast_in_dim3A_354, %scan3A_446 = %broadcast_in_dim3A_356, %scan3A_447 = %broadcast_in_dim3A_358, %scan3A_448 = %broadcast_in_dim3A_360, %scan3A_449 = %broadcast_in_dim3A_362, %scan3A_450 = %broadcast_in_dim3A_364) -> (vector<16xf32>, vector<16xf32>, vector<16xf32>, vector<16xf32>, vector<16xf32>, vector<16xf32>, vector<16xf32>, vector<16xf32>)  : i32 {
        %get3A = arith.index_cast %scan3A_442 : i32 to index
        %get3A_451 = arith.constant 0 : index
        %get3A_452 = tpu.vector_load %arg9[%get3A, %get3A_451] {strides = array<i32>} : memref<128x128xf32, #tpu.memory_space<vmem>>, vector<1x16xf32>,
        %get3A_453 = vector.shape_cast %get3A_452 : vector<1x16xf32> to vector<16xf32>
        %add3A_454 = arith.addf %scan3A_443, %get3A_453 : vector<16xf32>
        %get3A_455 = arith.index_cast %scan3A_442 : i32 to index
        %get3A_456 = arith.constant 16 : index
        %get3A_457 = tpu.vector_load %arg9[%get3A_455, %get3A_456] {strides = array<i32>} : memref<128x128xf32, #tpu.memory_space<vmem>>, vector<1x16xf32>,
        %get3A_458 = vector.shape_cast %get3A_457 : vector<1x16xf32> to vector<16xf32>
        %add3A_459 = arith.addf %scan3A_444, %get3A_458 : vector<16xf32>
        %get3A_460 = arith.index_cast %scan3A_442 : i32 to index
        %get3A_461 = arith.constant 32 : index
        %get3A_462 = tpu.vector_load %arg9[%get3A_460, %get3A_461] {strides = array<i32>} : memref<128x128xf32, #tpu.memory_space<vmem>>, vector<1x16xf32>,
        %get3A_463 = vector.shape_cast %get3A_462 : vector<1x16xf32> to vector<16xf32>
        %add3A_464 = arith.addf %scan3A_445, %get3A_463 : vector<16xf32>
        %get3A_465 = arith.index_cast %scan3A_442 : i32 to index
        %get3A_466 = arith.constant 48 : index
        %get3A_467 = tpu.vector_load %arg9[%get3A_465, %get3A_466] {strides = array<i32>} : memref<128x128xf32, #tpu.memory_space<vmem>>, vector<1x16xf32>,
        %get3A_468 = vector.shape_cast %get3A_467 : vector<1x16xf32> to vector<16xf32>
        %add3A_469 = arith.addf %scan3A_446, %get3A_468 : vector<16xf32>
        %get3A_470 = arith.index_cast %scan3A_442 : i32 to index
        %get3A_471 = arith.constant 64 : index
        %get3A_472 = tpu.vector_load %arg9[%get3A_470, %get3A_471] {strides = array<i32>} : memref<128x128xf32, #tpu.memory_space<vmem>>, vector<1x16xf32>,
        %get3A_473 = vector.shape_cast %get3A_472 : vector<1x16xf32> to vector<16xf32>
        %add3A_474 = arith.addf %scan3A_447, %get3A_473 : vector<16xf32>
        %get3A_475 = arith.index_cast %scan3A_442 : i32 to index
        %get3A_476 = arith.constant 80 : index
        %get3A_477 = tpu.vector_load %arg9[%get3A_475, %get3A_476] {strides = array<i32>} : memref<128x128xf32, #tpu.memory_space<vmem>>, vector<1x16xf32>,
        %get3A_478 = vector.shape_cast %get3A_477 : vector<1x16xf32> to vector<16xf32>
        %add3A_479 = arith.addf %scan3A_448, %get3A_478 : vector<16xf32>
        %get3A_480 = arith.index_cast %scan3A_442 : i32 to index
        %get3A_481 = arith.constant 96 : index
        %get3A_482 = tpu.vector_load %arg9[%get3A_480, %get3A_481] {strides = array<i32>} : memref<128x128xf32, #tpu.memory_space<vmem>>, vector<1x16xf32>,
        %get3A_483 = vector.shape_cast %get3A_482 : vector<1x16xf32> to vector<16xf32>
        %add3A_484 = arith.addf %scan3A_449, %get3A_483 : vector<16xf32>
        %get3A_485 = arith.index_cast %scan3A_442 : i32 to index
        %get3A_486 = arith.constant 112 : index
        %get3A_487 = tpu.vector_load %arg9[%get3A_485, %get3A_486] {strides = array<i32>} : memref<128x128xf32, #tpu.memory_space<vmem>>, vector<1x16xf32>,
        %get3A_488 = vector.shape_cast %get3A_487 : vector<1x16xf32> to vector<16xf32>
        %add3A_489 = arith.addf %scan3A_450, %get3A_488 : vector<16xf32>
        scf.yield %add3A_454, %add3A_459, %add3A_464, %add3A_469, %add3A_474, %add3A_479, %add3A_484, %add3A_489 : vector<16xf32>, vector<16xf32>, vector<16xf32>, vector<16xf32>, vector<16xf32>, vector<16xf32>, vector<16xf32>, vector<16xf32>
      }
      %scan3A_370 = arith.constant 128 : i32
      %add3A_371 = arith.constant 4 : i32
      %add3A_372 = arith.addi %add3A_342, %add3A_371 : i32
      %lt3A_373 = arith.constant 32 : i32
      %lt3A_374 = arith.cmpi slt, %add3A_372, %lt3A_373 : i32
      %convert_element_type3A_375 = arith.extui %lt3A_374 : i1 to i32
      %cond3A_376 = arith.constant 0 : i32
      %cond3A_377 = arith.cmpi ne, %convert_element_type3A_375, %cond3A_376 : i32
      scf.if %cond3A_377 {
        %dma_start3A_442 = arith.constant 0 : i32
        %dma_start3A_443 = tpu.memref_slice %arg5[%add3A_372, %dma_start3A_442] : memref<32x128xi32, #tpu.memory_space<vmem>> -> memref<1x128xi32, #tpu.memory_space<vmem>>
        %dma_start3A_444 = tpu.memref_squeeze %dma_start3A_443 : memref<1x128xi32, #tpu.memory_space<vmem>> -> memref<128xi32, #tpu.memory_space<vmem>>
        %dma_start3A_445 = arith.constant 0 : i32
        %dma_start3A_446 = arith.constant 0 : i32
        %dma_start3A_447 = tpu.memref_slice %arg2[%dma_start3A_445, %dma_start3A_446] : memref<100000x128xf32, #tpu.memory_space<hbm>> -> memref<100000x128xf32, #tpu.memory_space<hbm>>
        tpu.enqueue_indirect_dma source(%dma_start3A_447 : memref<100000x128xf32, #tpu.memory_space<hbm>>) target(%arg9 : memref<128x128xf32, #tpu.memory_space<vmem>>) offsets(%dma_start3A_444 : memref<128xi32, #tpu.memory_space<vmem>>) semaphore(%arg14 : memref<!tpu.dma_semaphore, #tpu.memory_space<semaphore_mem>>)
      } else {
      }
      %mul3A_378 = arith.constant 7.812500e-03 : f32
      %mul3A_379 = vector.broadcast %mul3A_378 : f32 to vector<16xf32>
      %mul3A_380 = arith.mulf %scan3A_369#0, %mul3A_379 : vector<16xf32>
      %swap3A_381 = arith.index_cast %add3A_342 : i32 to index
      %swap3A_382 = arith.constant 0 : index
      %swap3A_383 = tpu.vector_load %arg10[%swap3A_381, %swap3A_382] {strides = array<i32>} : memref<32x128xf32, #tpu.memory_space<vmem>>, vector<1x16xf32>,
      %swap3A_384 = vector.shape_cast %swap3A_383 : vector<1x16xf32> to vector<16xf32>
      %swap3A_385 = vector.shape_cast %mul3A_380 : vector<16xf32> to vector<1x16xf32>
      tpu.vector_store %arg10[%swap3A_381, %swap3A_382], %swap3A_385 {strides = array<i32>} : memref<32x128xf32, #tpu.memory_space<vmem>>, vector<1x16xf32>,
      %mul3A_386 = arith.constant 7.812500e-03 : f32
      %mul3A_387 = vector.broadcast %mul3A_386 : f32 to vector<16xf32>
      %mul3A_388 = arith.mulf %scan3A_369#1, %mul3A_387 : vector<16xf32>
      %swap3A_389 = arith.index_cast %add3A_342 : i32 to index
      %swap3A_390 = arith.constant 16 : index
      %swap3A_391 = tpu.vector_load %arg10[%swap3A_389, %swap3A_390] {strides = array<i32>} : memref<32x128xf32, #tpu.memory_space<vmem>>, vector<1x16xf32>,
      %swap3A_392 = vector.shape_cast %swap3A_391 : vector<1x16xf32> to vector<16xf32>
      %swap3A_393 = vector.shape_cast %mul3A_388 : vector<16xf32> to vector<1x16xf32>
      tpu.vector_store %arg10[%swap3A_389, %swap3A_390], %swap3A_393 {strides = array<i32>} : memref<32x128xf32, #tpu.memory_space<vmem>>, vector<1x16xf32>,
      %mul3A_394 = arith.constant 7.812500e-03 : f32
      %mul3A_395 = vector.broadcast %mul3A_394 : f32 to vector<16xf32>
      %mul3A_396 = arith.mulf %scan3A_369#2, %mul3A_395 : vector<16xf32>
      %swap3A_397 = arith.index_cast %add3A_342 : i32 to index
      %swap3A_398 = arith.constant 32 : index
      %swap3A_399 = tpu.vector_load %arg10[%swap3A_397, %swap3A_398] {strides = array<i32>} : memref<32x128xf32, #tpu.memory_space<vmem>>, vector<1x16xf32>,
      %swap3A_400 = vector.shape_cast %swap3A_399 : vector<1x16xf32> to vector<16xf32>
      %swap3A_401 = vector.shape_cast %mul3A_396 : vector<16xf32> to vector<1x16xf32>
      tpu.vector_store %arg10[%swap3A_397, %swap3A_398], %swap3A_401 {strides = array<i32>} : memref<32x128xf32, #tpu.memory_space<vmem>>, vector<1x16xf32>,
      %mul3A_402 = arith.constant 7.812500e-03 : f32
      %mul3A_403 = vector.broadcast %mul3A_402 : f32 to vector<16xf32>
      %mul3A_404 = arith.mulf %scan3A_369#3, %mul3A_403 : vector<16xf32>
      %swap3A_405 = arith.index_cast %add3A_342 : i32 to index
      %swap3A_406 = arith.constant 48 : index
      %swap3A_407 = tpu.vector_load %arg10[%swap3A_405, %swap3A_406] {strides = array<i32>} : memref<32x128xf32, #tpu.memory_space<vmem>>, vector<1x16xf32>,
      %swap3A_408 = vector.shape_cast %swap3A_407 : vector<1x16xf32> to vector<16xf32>
      %swap3A_409 = vector.shape_cast %mul3A_404 : vector<16xf32> to vector<1x16xf32>
      tpu.vector_store %arg10[%swap3A_405, %swap3A_406], %swap3A_409 {strides = array<i32>} : memref<32x128xf32, #tpu.memory_space<vmem>>, vector<1x16xf32>,
      %mul3A_410 = arith.constant 7.812500e-03 : f32
      %mul3A_411 = vector.broadcast %mul3A_410 : f32 to vector<16xf32>
      %mul3A_412 = arith.mulf %scan3A_369#4, %mul3A_411 : vector<16xf32>
      %swap3A_413 = arith.index_cast %add3A_342 : i32 to index
      %swap3A_414 = arith.constant 64 : index
      %swap3A_415 = tpu.vector_load %arg10[%swap3A_413, %swap3A_414] {strides = array<i32>} : memref<32x128xf32, #tpu.memory_space<vmem>>, vector<1x16xf32>,
      %swap3A_416 = vector.shape_cast %swap3A_415 : vector<1x16xf32> to vector<16xf32>
      %swap3A_417 = vector.shape_cast %mul3A_412 : vector<16xf32> to vector<1x16xf32>
      tpu.vector_store %arg10[%swap3A_413, %swap3A_414], %swap3A_417 {strides = array<i32>} : memref<32x128xf32, #tpu.memory_space<vmem>>, vector<1x16xf32>,
      %mul3A_418 = arith.constant 7.812500e-03 : f32
      %mul3A_419 = vector.broadcast %mul3A_418 : f32 to vector<16xf32>
      %mul3A_420 = arith.mulf %scan3A_369#5, %mul3A_419 : vector<16xf32>
      %swap3A_421 = arith.index_cast %add3A_342 : i32 to index
      %swap3A_422 = arith.constant 80 : index
      %swap3A_423 = tpu.vector_load %arg10[%swap3A_421, %swap3A_422] {strides = array<i32>} : memref<32x128xf32, #tpu.memory_space<vmem>>, vector<1x16xf32>,
      %swap3A_424 = vector.shape_cast %swap3A_423 : vector<1x16xf32> to vector<16xf32>
      %swap3A_425 = vector.shape_cast %mul3A_420 : vector<16xf32> to vector<1x16xf32>
      tpu.vector_store %arg10[%swap3A_421, %swap3A_422], %swap3A_425 {strides = array<i32>} : memref<32x128xf32, #tpu.memory_space<vmem>>, vector<1x16xf32>,
      %mul3A_426 = arith.constant 7.812500e-03 : f32
      %mul3A_427 = vector.broadcast %mul3A_426 : f32 to vector<16xf32>
      %mul3A_428 = arith.mulf %scan3A_369#6, %mul3A_427 : vector<16xf32>
      %swap3A_429 = arith.index_cast %add3A_342 : i32 to index
      %swap3A_430 = arith.constant 96 : index
      %swap3A_431 = tpu.vector_load %arg10[%swap3A_429, %swap3A_430] {strides = array<i32>} : memref<32x128xf32, #tpu.memory_space<vmem>>, vector<1x16xf32>,
      %swap3A_432 = vector.shape_cast %swap3A_431 : vector<1x16xf32> to vector<16xf32>
      %swap3A_433 = vector.shape_cast %mul3A_428 : vector<16xf32> to vector<1x16xf32>
      tpu.vector_store %arg10[%swap3A_429, %swap3A_430], %swap3A_433 {strides = array<i32>} : memref<32x128xf32, #tpu.memory_space<vmem>>, vector<1x16xf32>,
      %mul3A_434 = arith.constant 7.812500e-03 : f32
      %mul3A_435 = vector.broadcast %mul3A_434 : f32 to vector<16xf32>
      %mul3A_436 = arith.mulf %scan3A_369#7, %mul3A_435 : vector<16xf32>
      %swap3A_437 = arith.index_cast %add3A_342 : i32 to index
      %swap3A_438 = arith.constant 112 : index
      %swap3A_439 = tpu.vector_load %arg10[%swap3A_437, %swap3A_438] {strides = array<i32>} : memref<32x128xf32, #tpu.memory_space<vmem>>, vector<1x16xf32>,
      %swap3A_440 = vector.shape_cast %swap3A_439 : vector<1x16xf32> to vector<16xf32>
      %swap3A_441 = vector.shape_cast %mul3A_436 : vector<16xf32> to vector<1x16xf32>
      tpu.vector_store %arg10[%swap3A_437, %swap3A_438], %swap3A_441 {strides = array<i32>} : memref<32x128xf32, #tpu.memory_space<vmem>>, vector<1x16xf32>,
    }
    %scan3A_34 = arith.constant 8 : i32
    "tpu.region"() ({
      %run_scoped3A = tpu.sem_alloc : memref<!tpu.dma_semaphore, #tpu.memory_space<semaphore_mem>>
      %dma_start3A_35 = arith.constant 0 : i32
      %dma_start3A_36 = tpu.memref_slice %arg4[%mul3A_2, %dma_start3A_35] : memref<1024x128xf32, #tpu.memory_space<hbm>> -> memref<32x128xf32, #tpu.memory_space<hbm>>
      %dma_start3A_37 = arith.constant 0 : i32
      %dma_start3A_38 = tpu.memref_slice %arg4[%mul3A_2, %dma_start3A_37] : memref<1024x128xf32, #tpu.memory_space<hbm>> -> memref<32x128xf32, #tpu.memory_space<hbm>>
      tpu.enqueue_dma source(%arg10 : memref<32x128xf32, #tpu.memory_space<vmem>>) target(%dma_start3A_38 : memref<32x128xf32, #tpu.memory_space<hbm>>) target_semaphore(%run_scoped3A : memref<!tpu.dma_semaphore, #tpu.memory_space<semaphore_mem>>)
      %dma_wait3A = arith.constant 0 : i32
      %dma_wait3A_39 = tpu.memref_slice %arg4[%mul3A_2, %dma_wait3A] : memref<1024x128xf32, #tpu.memory_space<hbm>> -> memref<32x128xf32, #tpu.memory_space<hbm>>
      %dma_wait3A_40 = arith.constant 0 : i32
      %dma_wait3A_41 = tpu.memref_slice %arg4[%mul3A_2, %dma_wait3A_40] : memref<1024x128xf32, #tpu.memory_space<hbm>> -> memref<32x128xf32, #tpu.memory_space<hbm>>
      tpu.wait_dma2 semaphore(%run_scoped3A : memref<!tpu.dma_semaphore, #tpu.memory_space<semaphore_mem>>) src(%arg10 : memref<32x128xf32, #tpu.memory_space<vmem>>) dst(%dma_wait3A_41 : memref<32x128xf32, #tpu.memory_space<hbm>>)
      tpu.yield
    }) : () -> ()
    return
  }
}

</mosaic_0001>

<sc_bundles>
// kernel: kernel.3.cloned.1.call-start
scs
__scs_entry_jumppad:
0x0: {  	(pc) =	sbr.rel $0x88, $3  }
0x1: {  	(tag) =	ssettag $0x0;
	lr =	simm.s32 $0x1  }
0x2: {  	[smem:$0x3F9F] =	sst lr;
	_ =	strace $0xD0000000  }
0x3: {  	_ = 	snop  }
0x4: {  	_ = 	snop  }
0x5: {  	_ = 	snop  }
0x6: {  	_ = 	snop  }
0x7: {  	_ = 	snop  }
__scs_overlays_trampoline_lowered:
0x8: {  	[smem:$0x3FAE] =	sst s0  }
0x9: {  	[smem:$0x3FAF] =	sst s1  }
0xa: {  	[smem:$0x3FB0] =	sst s2  }
0xb: {  	[smem:$0x3FB1] =	sst s3  }
0xc: {  	[smem:$0x3FB2] =	sst s4  }
0xd: {  	[smem:$0x3FB3] =	sst s5  }
0xe: {  	[smem:$0x3FB4] =	sst s6  }
0xf: {  	[smem:$0x3FB5] =	sst s7  }
0x10: {  	[smem:$0x3FB6] =	sst s8  }
0x11: {  	[smem:$0x3FB7] =	sst s9;
	s0 =	simm.s32 @!p0 $0x0  }
0x12: {  	s1 =	sld [smem:$0x3F9D];
	s0 =	simm.s32 @p0 $0x1  }
0x13: {  	[smem:$0x3FB8] =	sst s0;
	s0 =	simm.s32 @!p1 $0x0  }
0x14: {  	s2 =	sld [smem:$0x3F9C];
	s0 =	simm.s32 @p1 $0x1  }
0x15: {  	[smem:$0x3FB9] =	sst s0;
	s0 =	simm.s32 @!p2 $0x0  }
0x16: {  	s3 =	sld [smem:$0x3FDB];
	s0 =	simm.s32 @p2 $0x1  }
0x17: {  	s4 =	simm.s32 $0x1BF5;
	[smem:$0x3FBB] =	sst s0  }
0x18: {  	s0 =	sld [smem:$0x3F9E];
	_ =	swait.ge [sflag:s4], $0x0  }
0x19: {  	s7 =	sld [smem:$0x3F9F]  }
0x1a: {  	s8 =	sadd.s32 $0xFFFFE003, lr  }
0x1b: {  	s9 =	sadd.s32 $0xFFFFFEF7, lr;
	s5 =	simm.s32 $0xFFFFFFFF;
	p2 =	slt.u32 s8, $0xFFFFF086  }
0x1c: {  	p1 =	slt.u32 s9, $0xF7A;
	s5 =	simm.s32 @!p2 $0x0  }
0x1d: {  	s5 =	simm.s32 @p1 $0x1;
	p0 =	seq.s32 s7, s2  }
0x1e: {  	s7 =	smul.u32 @!p0 $0xF7A, s2;
	p2 =	seq.s32 @!p0 s5, $0x0  }
0x1f: {  	s9 =	smul.u32 $0xF7A, s1;
	s8 =	simm.s32 @!p0 $0x1BF5;
	p2 =	por !p2, p0  }
0x20: {  	[sflag:s8] =	ssyncset.s32 @!p0 $0xFFFFF086;
	s6 =	sadd.s32 @!p0 s3, s7;
	s7 =	simm.s32 @!p0 $0x108  }
0x21: {  	s3 =	sadd.s32 s3, s9;
	s6 =	sadd.s32 @!p0 $0x88, s6;
	s7 =	simm.s32 @p2 $0x1082  }
0x22: {  	[simem:s7], [sflag:s8] =	dma.local @!p0 [hbm:s6], $0xF7A  }
0x23: {  	s9 =	sor.u32 $0xD0000000, s2;
	s6 =	simm.s32 $0x108;
	_ =	swait.ge @!p0 [sflag:s8], $0x0  }
0x24: {  	s3 =	sadd.s32 $0x88, s3;
	s6 =	simm.s32 @!p1 $0x1082;
	[sflag:s4] =	ssyncset.s32 $0xFFFFF086  }
0x25: {  	[simem:s6], [sflag:s4] =	dma.local [hbm:s3], $0xF7A  }
0x26: {  	[smem:$0x3F9F] =	sst s1;
	(tag) =	ssettag s2;
	_ =	strace s9  }
0x27: {  	s1 =	sld [smem:$0x3FAF]  }
0x28: {  	s2 =	sld [smem:$0x3FB0]  }
0x29: {  	s4 =	sld [smem:$0x3FB2]  }
0x2a: {  	p0 =	seq.s32 s5, $0x0;
	s5 =	sld [smem:$0x3FB3]  }
0x2b: {  	s6 =	sld [smem:$0x3FB4]  }
0x2c: {  	s7 =	sld [smem:$0x3FB5]  }
0x2d: {  	s3 =	simm.s32 $0x108;
	s8 =	sld [smem:$0x3FB6]  }
0x2e: {  	s3 =	simm.s32 @!p0 $0x1082;
	s9 =	sld [smem:$0x3FB7]  }
0x2f: {  	lr =	sadd.s32 s0, s3;
	s0 =	sld [smem:$0x3FAE]  }
0x30: {  	s3 =	sld [smem:$0x3FB1]  }
0x31: {  	[smem:$0x3FBA] =	sst s10  }
0x32: {  	s10 =	sld [smem:$0x3FB8];
	_ =	sdelay $0x3  }
0x33: {  	p0 =	seq.s32 s10, $0x1;
	s10 =	sld [smem:$0x3FBA];
	_ =	sdelay $0x3  }
0x34: {  	[smem:$0x3FBA] =	sst s10  }
0x35: {  	s10 =	sld [smem:$0x3FB9];
	_ =	sdelay $0x3  }
0x36: {  	p1 =	seq.s32 s10, $0x1;
	s10 =	sld [smem:$0x3FBA];
	_ =	sdelay $0x3  }
0x37: {  	[smem:$0x3FBA] =	sst s10  }
0x38: {  	s10 =	sld [smem:$0x3FBB]  }
0x39: {  	_ = 	snop;
	(pc) =	sbr.ind lr, $3  }
0x3a: {  	_ = 	snop  }
0x3b: {  	_ = 	snop  }
0x3c: {  	p2 =	seq.s32 s10, $0x1;
	s10 =	sld [smem:$0x3FBA]  }
0x3d: {  	_ =	shalt  }
0x3e: {  	_ =	shalt  }
0x3f: {  	_ =	shalt  }
0x40: {  	_ =	shalt  }
0x41: {  	_ =	shalt  }
0x42: {  	_ =	shalt  }
0x43: {  	_ =	shalt  }
0x44: {  	_ =	shalt  }
0x45: {  	_ =	shalt  }
0x46: {  	_ =	shalt  }
0x47: {  	_ =	shalt  }
0x48: {  	_ =	shalt  }
0x49: {  	_ =	shalt  }
0x4a: {  	_ =	shalt  }
0x4b: {  	_ =	shalt  }
0x4c: {  	_ =	shalt  }
0x4d: {  	_ =	shalt  }
0x4e: {  	_ =	shalt  }
0x4f: {  	_ =	shalt  }
0x50: {  	_ =	shalt  }
0x51: {  	_ =	shalt  }
0x52: {  	_ =	shalt  }
0x53: {  	_ =	shalt  }
0x54: {  	_ =	shalt  }
0x55: {  	_ =	shalt  }
0x56: {  	_ =	shalt  }
0x57: {  	_ =	shalt  }
0x58: {  	_ =	shalt  }
0x59: {  	_ =	shalt  }
0x5a: {  	_ =	shalt  }
0x5b: {  	_ =	shalt  }
0x5c: {  	_ =	shalt  }
0x5d: {  	_ =	shalt  }
0x5e: {  	_ =	shalt  }
0x5f: {  	_ =	shalt  }
0x60: {  	_ =	shalt  }
0x61: {  	_ =	shalt  }
0x62: {  	_ =	shalt  }
0x63: {  	_ =	shalt  }
0x64: {  	_ =	shalt  }
0x65: {  	_ =	shalt  }
0x66: {  	_ =	shalt  }
0x67: {  	_ =	shalt  }
0x68: {  	_ =	shalt  }
0x69: {  	_ =	shalt  }
0x6a: {  	_ =	shalt  }
0x6b: {  	_ =	shalt  }
0x6c: {  	_ =	shalt  }
0x6d: {  	_ =	shalt  }
0x6e: {  	_ =	shalt  }
0x6f: {  	_ =	shalt  }
0x70: {  	_ =	shalt  }
0x71: {  	_ =	shalt  }
0x72: {  	_ =	shalt  }
0x73: {  	_ =	shalt  }
0x74: {  	_ =	shalt  }
0x75: {  	_ =	shalt  }
0x76: {  	_ =	shalt  }
0x77: {  	_ =	shalt  }
0x78: {  	_ =	shalt  }
0x79: {  	_ =	shalt  }
0x7a: {  	_ =	shalt  }
0x7b: {  	_ =	shalt  }
0x7c: {  	_ =	shalt  }
0x7d: {  	_ =	shalt  }
0x7e: {  	_ =	shalt  }
0x7f: {  	_ =	shalt  }
0x80: {  	_ =	shalt  }
0x81: {  	_ =	shalt  }
0x82: {  	_ =	shalt  }
0x83: {  	_ =	shalt  }
0x84: {  	_ =	shalt  }
0x85: {  	_ =	shalt  }
0x86: {  	_ =	shalt  }
0x87: {  	_ =	shalt  }
.Lfunc_end0:
.L_simem_size_0:
called_computation_lowered:
.L_overlay_start_0:
0x88: {  	s2 =	sld [smem:$0x3FD9]  }
0x89: {  	s3 =	sld [smem:$0x3FFE];
	_ =	sdelay $0x1  }
0x8a: {  	s1 =	srdreg.scid  }
0x8b: {  	s0 =	sand.u32 $0x1, s1  }
0x8c: {  	s18 =	sshll.u32 s0, $0xA;
	s2 =	sadd.s32 s3, s2  }
0x8d: {  	s2 =	sadd.s32 s2, s18  }
0x8e: {  	[smem:$0x3FC6] =	sst s2  }
0x8f: {  	_ = 	snop  }
0x90: {  	s2 =	sld [smem:$0x3FC9]  }
0x91: {  	s19 =	sld [smem:$0x3FC8]  }
0x92: {  	s4 =	sld [smem:$0x3FD0];
	(tm) =	ssettm $0x1  }
0x93: {  	s5 =	sld [smem:$0x3FFB];
	_ =	sdelay $0x3  }
0x94: {  	_ =	strace s5  }
0x95: {  	s5 =	sld [smem:$0x3FFC];
	_ =	sdelay $0x3  }
0x96: {  	_ =	strace s5  }
0x97: {  	s5 =	sld [smem:$0x3FFD];
	_ =	sdelay $0x3  }
0x98: {  	_ =	strace s5  }
0x99: {  	_ =	strace $0x8FFFFFFF  }
0x9a: {  	s20 =	sld [smem:$0x3FDB];
	_ =	sdelay $0x1  }
0x9b: {  	s6 =	simm.s32 $_scs_section_size  }
0x9c: {  	s7 =	simm.s32 $_size__tile_overlayer_lowered;
	s8 =	simm.s32 $_tile_overlayer_lowered  }
0x9d: {  	s23 =	simm.s32 $0x1BFF;
	s22 =	sshll.u32 s8, $0x1;
	s5 =	sadd.s32 s6, s20  }
0x9e: {  	s9 =	simm.s32 $0x0;
	s21 =	sshll.u32 s7, $0x1;
	s7 =	sadd.s32 s22, s5  }
0x9f: {  	[timem:s9], [sflag:s23] =	dma.local [hbm:s7], s21  }
0xa0: {  	_ =	swait.ge [sflag:s23], s21  }
0xa1: {  	s6 =	ssub.s32 $0x0, s21;
	[sflag:s23] =	ssyncset.done $0x0  }
0xa2: {  	[sflag:s23] =	ssyncadd.s32 s6;
	_ =	sdelay $0x1  }
0xa3: {  	s24 =	simm.s32 $0x1B8B  }
0xa4: {  	_ =	swait.ge [sflag:s24], $0x1  }
0xa5: {  	[sflag:s24] =	ssyncset.done $0x0  }
0xa6: {  	s25 =	simm.s32 $0x1B8E;
	[sflag:s24] =	ssyncadd.s32 $0xFFFFFFFF  }
0xa7: {  	s26 =	simm.s32 $execute0_lowered;
	[smem:$0x3FD2] =	sst s25  }
0xa8: {  	s6 =	sshll.u32 s26, $0x1;
	_ =	strace $0x80000046;
	[dreg:$0x1] =	wrdreg $0xFFFFFFFF  }
0xa9: {  	s28 =	simm.s32 $_size_execute0_lowered;
	s5 =	sadd.s32 s5, s6;
	[dreg:$0x0] =	wrdreg $0x0  }
0xaa: {  	s6 =	sshll.u32 s28, $0x1;
	[dreg:$0x2] =	wrdreg s5  }
0xab: {  	[dreg:$0x3] =	wrdreg s6  }
0xac: {  	[dreg:$0x4] =	wrdreg $0xC0  }
0xad: {  	_ =	task [dreg:s9], $0x5FFFF  }
0xae: {  	[dreg:$0x1] =	wrdreg $0xFFFFFFFF  }
0xaf: {  	[dreg:$0x0] =	wrdreg $0x60  }
0xb0: {  	[dreg:$0x2] =	wrdreg s2  }
0xb1: {  	[dreg:$0x3] =	wrdreg s19  }
0xb2: {  	[dreg:$0x4] =	wrdreg s4  }
0xb3: {  	[dreg:$0x5] =	wrdreg $0x9  }
0xb4: {  	_ =	task.clear_ibuf [dreg:s9], $0x6FFFF;
	_ =	strace $0x90000046  }
0xb5: {  	s29 =	simm.s32 $0x9;
	_ =	strace $0x80000048  }
0xb6: {  	_ =	swait.ge [sflag:s29], $0x1  }
0xb7: {  	[sflag:s29] =	ssyncadd.s32 $0xFFFFFFFF  }
0xb8: {  	_ =	strace $0x90000048  }
0xb9: {  	_ =	sfence  }
0xba: {  	s30 =	sld [smem:$0x0];
	_ =	sdelay $0x2  }
0xbb: {  	s31 =	sshll.u32 s1, $0xD;
	s1 =	sshrl.u32 s1, $0x2  }
0xbc: {  	s3 =	sand.u32 $0x4000, s31;
	s1 =	sadd.s32 s1, s30  }
0xbd: {  	s0 =	sor.u32 s3, s0;
	s1 =	sshll.u32 s1, $0x11  }
0xbe: {  	s0 =	sor.u32 s1, s0  }
0xbf: {  	s0 =	sadd.s32 $0x8F2B, s0  }
0xc0: {  	[sflag:s0] =	ssyncadd.remote.s32 $0x1  }
0xc1: {  	_ =	sfence.sel $0xFFFF  }
0xc2: {  	[dreg:$0x0] =	wrdreg $0xFFFFFFFF;
	(pc) =	sbr.abs _section_cstart, $3  }
0xc3: {  	[dreg:$0x1] =	wrdreg $0xFFFFFFFF  }
0xc4: {  	_ =	task.clear_ibuf [dreg:s9], $0x2FFFF;
	_ =	strace $0x9FFFFFFF  }
0xc5: {  	(tm) =	ssettm $0x7FFFFFFF  }
tec
execute0_lowered:
.L_overlay_start_1:
0x0: {  	(tag) =	ssettag $0x1  }
0x1: {  	s1 =	rddreg [dreg:$0x0]  }
0x2: {  	s4 =	rddreg [dreg:$0x1]  }
0x3: {  	s5 =	rddreg [dreg:$0x2]  }
0x4: {  	s0 =	rddreg [dreg:$0x3];
	s3 =	simm.s32 $0x0;
	s6 =	srdreg.scid  }
0x5: {  	s2 =	stileid.u32;
	s10 =	simm.s32 $0x5000;
	s11 =	simm.s32 $0x100  }
0x6: {  	s12 =	simm.s32 $0x9000;
	s13 =	simm.s32 $0x180;
	s14 =	simm.s32 $0xD000  }
0x7: {  	s15 =	simm.s32 $0x1;
	s16 =	simm.s32 $0x2;
	s17 =	simm.s32 $0x3  }
0x8: {  	s18 =	simm.s32 $0x4;
	s19 =	simm.s32 $0x11000;
	s20 =	simm.s32 $0x0  }
0x9: {  	[smem:$0x7FF] =	sst s3;
	s6 =	sand.u32 $0x1, s6;
	s8 =	sshll.u32 s2, $0xA  }
0xa: {  	s7 =	ssub.s32 $0x2, s6;
	s6 =	sshll.u32 s6, $0x9;
	_ =	strace $0x80000047  }
0xb: {  	s9 =	sshrl.u32 s7, $0x1;
	s6 =	sor.u32 s6, s8;
	s8 =	simm.s32 $0x80  }
0xc: {  	s7 =	ssub.s32 s7, s9;
	s4 =	sadd.s32 s4, s6;
	s5 =	sadd.s32 s5, s6  }
0xd: {  	s9 =	simm.s32 $0x1000;
	s6 =	smax.u32 s7, $0x1;
	s7 =	simm.s32 $0x5  }
.LBB2_1:
0xe: {  	[tilespmem:s3], [sflag:$0x5] =	stream.linear.gather [hbm4b:s4+s3], $0x1000, $0x38;
	[tilespmem:$0x12000] =	vst v63  }
0xf: {  	_ =	swait.ge [sflag:s7], $0x1000  }
0x10: {  	[sflag:s7] =	ssyncset.done $0x0  }
0x11: {  	[sflag:s7] =	ssyncadd.s32 $0xFFFFF000  }
0x12: {  	[tilespmem:s9], [sflag:$0x1] =	stream.indirect.gather [hbm4b:s1+s8], $0x80, s3, s8, $0xb8;
	[tilespmem:$0x12000] =	vst v63  }
0x13: {  	_ = 	snop  }
0x14: {  	[tilespmem:s10], [sflag:$0x2] =	stream.indirect.gather [hbm4b:s1+s8], $0x80, s8, s8, $0xb8;
	[tilespmem:$0x12000] =	vst v63  }
0x15: {  	_ = 	snop  }
0x16: {  	[tilespmem:s12], [sflag:$0x3] =	stream.indirect.gather [hbm4b:s1+s8], $0x80, s11, s8, $0xb8;
	[tilespmem:$0x12000] =	vst v63  }
0x17: {  	s21 =	simm.s32 $0x0  }
0x18: {  	[tilespmem:s14], [sflag:$0x4] =	stream.indirect.gather [hbm4b:s1+s8], $0x80, s13, s8, $0xb8;
	[tilespmem:$0x12000] =	vst v63  }
.LBB2_2:
0x19: {  	_ =	swait.ge [sflag:s15], $0x4000  }
0x1a: {  	[sflag:s15] =	ssyncset.done $0x0  }
0x1b: {  	s24 =	simm.s32 $0x0;
	[sflag:s15] =	ssyncadd.s32 $0xFFFFC000  }
0x1c: {  	v0 =	vld [tilespmem:s24+$0x1070]  }
0x1d: {  	v1 =	vld [tilespmem:s24+$0x1000]  }
0x1e: {  	v2 =	vld [tilespmem:s24+$0x1010]  }
0x1f: {  	v12 =	vld [tilespmem:s24+$0x1020]  }
0x20: {  	v11 =	vld [tilespmem:s24+$0x1030]  }
0x21: {  	v3 =	vimm.f32 $0.0e+00;
	v9 =	vimm.f32 $0.0e+00;
	v4 =	vld [tilespmem:s24+$0x1040]  }
0x22: {  	v6 =	vimm.f32 $0.0e+00;
	v5 =	vld [tilespmem:s24+$0x1050];
	v0 =	vadd.f32 v0, v3;
	v10 =	vadd.f32 v1, v3  }
0x23: {  	s22 =	simm.s32 $0x80;
	s23 =	simm.s32 $0x400;
	v7 =	vld [tilespmem:s24+$0x1060];
	v8 =	vadd.f32 v2, v3;
	v2 =	vimm.f32 $0.0e+00;
	v1 =	vimm.f32 $0.0e+00  }
.LBB2_3:
0x24: {  	p0 =	sne.s32 s23, $0xFE00;
	v13 =	vld [tilespmem:s22+$0x1070];
	v3 =	vadd.f32 v12, v3  }
0x25: {  	v14 =	vld [tilespmem:s22+$0x1000];
	v9 =	vadd.f32 v11, v9  }
0x26: {  	v15 =	vld [tilespmem:s22+$0x1010];
	v6 =	vadd.f32 v4, v6  }
.Ltmp0:
0x27: {  	v12 =	vld [tilespmem:s22+$0x1020];
	v2 =	vadd.f32 v5, v2;
	(pc) =	sbr.rel @p0 .LBB2_3-.Ltmp0, $4  }
0x28: {  	v11 =	vld [tilespmem:s22+$0x1030];
	v1 =	vadd.f32 v7, v1  }
0x29: {  	v4 =	vld [tilespmem:s22+$0x1040];
	v0 =	vadd.f32 v13, v0  }
0x2a: {  	v10 =	vadd.f32 v14, v10;
	v5 =	vld [tilespmem:s22+$0x1050]  }
0x2b: {  	v8 =	vadd.f32 v15, v8;
	v7 =	vld [tilespmem:s22+$0x1060];
	s22 =	sshra.s32 s23, $0x2;
	s23 =	sadd.s32 $0x200, s23  }
0x2c: {  	v13 =	vld [tilespmem:s22+$0x1070]  }
0x2d: {  	v14 =	vld [tilespmem:s22+$0x1000]  }
0x2e: {  	v15 =	vld [tilespmem:s22+$0x1010]  }
0x2f: {  	v16 =	vld [tilespmem:s22+$0x1020]  }
0x30: {  	v17 =	vld [tilespmem:s22+$0x1030]  }
0x31: {  	s24 =	sshll.u32 s21, $0xB;
	p0 =	seq.s32 s21, $0x7;
	v3 =	vadd.f32 v12, v3;
	v12 =	vld [tilespmem:s22+$0x1050]  }
0x32: {  	v18 =	vld [tilespmem:s22+$0x1040];
	s23 =	sshrl.u32 @!p0 s24, $0x2;
	v9 =	vadd.f32 v11, v9;
	v10 =	vadd.f32 v14, v10  }
0x33: {  	v11 =	vld [tilespmem:s22+$0x1060];
	s25 =	simm.s32 @!p0 $0x80;
	s26 =	simm.s32 @!p0 $0x1000;
	s22 =	sadd.s32 @!p0 $0x200, s23;
	v4 =	vadd.f32 v4, v6;
	v8 =	vadd.f32 v15, v8  }
0x34: {  	[tilespmem:s26], [sflag:$0x1] =	stream.indirect.gather @!p0 [hbm4b:s1+s25], $0x80, s22, s25, $0xb8;
	v2 =	vadd.f32 v5, v2;
	v3 =	vadd.f32 v16, v3;
	v6 =	vmul.f32 $7.812500000e-03, v10;
	[tilespmem:$0x12000] =	vst v63  }
0x35: {  	s22 =	sshrl.u32 s24, $0x2;
	v5 =	vadd.f32 v17, v9;
	v8 =	vmul.f32 $7.812500000e-03, v8  }
0x36: {  	v1 =	vadd.f32 v7, v1;
	v2 =	vadd.f32 v12, v2;
	v3 =	vmul.f32 $7.812500000e-03, v3;
	[tilespmem:s22+$0x11000] =	vst v6  }
0x37: {  	v0 =	vadd.f32 v13, v0;
	v5 =	vmul.f32 $7.812500000e-03, v5;
	[tilespmem:s22+$0x11010] =	vst v8  }
0x38: {  	v1 =	vadd.f32 v11, v1;
	v2 =	vmul.f32 $7.812500000e-03, v2;
	[tilespmem:s22+$0x11020] =	vst v3  }
0x39: {  	v4 =	vadd.f32 v18, v4;
	v0 =	vmul.f32 $7.812500000e-03, v0;
	[tilespmem:s22+$0x11030] =	vst v5  }
0x3a: {  	v1 =	vmul.f32 $7.812500000e-03, v1;
	[tilespmem:s22+$0x11050] =	vst v2  }
0x3b: {  	v3 =	vmul.f32 $7.812500000e-03, v4;
	[tilespmem:s22+$0x11070] =	vst v0  }
0x3c: {  	[tilespmem:s22+$0x11060] =	vst v1  }
0x3d: {  	[tilespmem:s22+$0x11040] =	vst v3  }
0x3e: {  	_ =	swait.ge [sflag:s16], $0x4000  }
0x3f: {  	[sflag:s16] =	ssyncset.done $0x0  }
0x40: {  	s31 =	simm.s32 $0x0;
	[sflag:s16] =	ssyncadd.s32 $0xFFFFC000  }
0x41: {  	v0 =	vld [tilespmem:s31+$0x5070]  }
0x42: {  	v1 =	vld [tilespmem:s31+$0x5000]  }
0x43: {  	v2 =	vld [tilespmem:s31+$0x5010]  }
0x44: {  	v12 =	vld [tilespmem:s31+$0x5020]  }
0x45: {  	v11 =	vld [tilespmem:s31+$0x5030]  }
0x46: {  	v10 =	vimm.f32 $0.0e+00;
	v3 =	vimm.f32 $0.0e+00;
	v9 =	vld [tilespmem:s31+$0x5040]  }
0x47: {  	v8 =	vimm.f32 $0.0e+00;
	v4 =	vld [tilespmem:s31+$0x5050];
	v0 =	vadd.f32 v0, v3;
	v7 =	vadd.f32 v1, v3  }
0x48: {  	s24 =	simm.s32 $0x80;
	s25 =	simm.s32 $0x400;
	v5 =	vld [tilespmem:s31+$0x5060];
	v6 =	vadd.f32 v2, v3;
	v2 =	vimm.f32 $0.0e+00;
	v1 =	vimm.f32 $0.0e+00  }
.LBB2_5:
0x49: {  	p1 =	sne.s32 s25, $0xFE00;
	v13 =	vld [tilespmem:s24+$0x5070];
	v3 =	vadd.f32 v12, v3  }
0x4a: {  	v14 =	vld [tilespmem:s24+$0x5000];
	v8 =	vadd.f32 v11, v8  }
0x4b: {  	v15 =	vld [tilespmem:s24+$0x5010];
	v10 =	vadd.f32 v9, v10  }
.Ltmp1:
0x4c: {  	v12 =	vld [tilespmem:s24+$0x5020];
	v2 =	vadd.f32 v4, v2;
	(pc) =	sbr.rel @p1 .LBB2_5-.Ltmp1, $4  }
0x4d: {  	v11 =	vld [tilespmem:s24+$0x5030];
	v1 =	vadd.f32 v5, v1  }
0x4e: {  	v9 =	vld [tilespmem:s24+$0x5040];
	v0 =	vadd.f32 v13, v0  }
0x4f: {  	v7 =	vadd.f32 v14, v7;
	v4 =	vld [tilespmem:s24+$0x5050]  }
0x50: {  	v6 =	vadd.f32 v15, v6;
	v5 =	vld [tilespmem:s24+$0x5060];
	s24 =	sshra.s32 s25, $0x2;
	s25 =	sadd.s32 $0x200, s25  }
0x51: {  	v13 =	vld [tilespmem:s24+$0x5000]  }
0x52: {  	v14 =	vld [tilespmem:s24+$0x5010]  }
0x53: {  	v15 =	vld [tilespmem:s24+$0x5020]  }
0x54: {  	v16 =	vld [tilespmem:s24+$0x5030]  }
0x55: {  	v3 =	vadd.f32 v12, v3;
	v12 =	vld [tilespmem:s24+$0x5050]  }
0x56: {  	v8 =	vadd.f32 v11, v8;
	v11 =	vld [tilespmem:s24+$0x5060];
	v7 =	vadd.f32 v13, v7  }
0x57: {  	v17 =	vld [tilespmem:s24+$0x5040];
	v9 =	vadd.f32 v9, v10;
	v6 =	vadd.f32 v14, v6  }
0x58: {  	s25 =	simm.s32 @!p0 $0x80;
	s26 =	simm.s32 @!p0 $0x5000;
	v10 =	vld [tilespmem:s24+$0x5070];
	s24 =	sadd.s32 @!p0 $0x280, s23;
	v2 =	vadd.f32 v4, v2;
	v3 =	vadd.f32 v15, v3;
	v7 =	vmul.f32 $7.812500000e-03, v7  }
0x59: {  	[tilespmem:s26], [sflag:$0x2] =	stream.indirect.gather @!p0 [hbm4b:s1+s25], $0x80, s24, s25, $0xb8;
	v1 =	vadd.f32 v5, v1;
	v4 =	vadd.f32 v16, v8;
	v6 =	vmul.f32 $7.812500000e-03, v6;
	[tilespmem:$0x12000] =	vst v63  }
0x5a: {  	v2 =	vadd.f32 v12, v2;
	v3 =	vmul.f32 $7.812500000e-03, v3;
	[tilespmem:s22+$0x11080] =	vst v7  }
0x5b: {  	v1 =	vadd.f32 v11, v1;
	v4 =	vmul.f32 $7.812500000e-03, v4;
	[tilespmem:s22+$0x11090] =	vst v6  }
0x5c: {  	v5 =	vadd.f32 v17, v9;
	v2 =	vmul.f32 $7.812500000e-03, v2;
	[tilespmem:s22+$0x110A0] =	vst v3  }
0x5d: {  	v0 =	vadd.f32 v10, v0;
	v1 =	vmul.f32 $7.812500000e-03, v1;
	[tilespmem:s22+$0x110B0] =	vst v4  }
0x5e: {  	v3 =	vmul.f32 $7.812500000e-03, v5;
	[tilespmem:s22+$0x110D0] =	vst v2  }
0x5f: {  	v0 =	vmul.f32 $7.812500000e-03, v0;
	[tilespmem:s22+$0x110E0] =	vst v1  }
0x60: {  	[tilespmem:s22+$0x110C0] =	vst v3  }
0x61: {  	[tilespmem:s22+$0x110F0] =	vst v0  }
0x62: {  	_ =	swait.ge [sflag:s17], $0x4000  }
0x63: {  	[sflag:s17] =	ssyncset.done $0x0  }
0x64: {  	s31 =	simm.s32 $0x0;
	[sflag:s17] =	ssyncadd.s32 $0xFFFFC000  }
0x65: {  	v0 =	vld [tilespmem:s31+$0x9070]  }
0x66: {  	v1 =	vld [tilespmem:s31+$0x9000]  }
0x67: {  	v2 =	vld [tilespmem:s31+$0x9010]  }
0x68: {  	v12 =	vld [tilespmem:s31+$0x9020]  }
0x69: {  	v11 =	vld [tilespmem:s31+$0x9030]  }
0x6a: {  	v8 =	vimm.f32 $0.0e+00;
	v3 =	vimm.f32 $0.0e+00;
	v9 =	vld [tilespmem:s31+$0x9040]  }
0x6b: {  	v10 =	vimm.f32 $0.0e+00;
	v4 =	vld [tilespmem:s31+$0x9050];
	v0 =	vadd.f32 v0, v3;
	v7 =	vadd.f32 v1, v3  }
0x6c: {  	s24 =	simm.s32 $0x80;
	s25 =	simm.s32 $0x400;
	v5 =	vld [tilespmem:s31+$0x9060];
	v6 =	vadd.f32 v2, v3;
	v2 =	vimm.f32 $0.0e+00;
	v1 =	vimm.f32 $0.0e+00  }
.LBB2_7:
0x6d: {  	p1 =	sne.s32 s25, $0xFE00;
	v13 =	vld [tilespmem:s24+$0x9070];
	v3 =	vadd.f32 v12, v3  }
0x6e: {  	v14 =	vld [tilespmem:s24+$0x9000];
	v8 =	vadd.f32 v11, v8  }
0x6f: {  	v15 =	vld [tilespmem:s24+$0x9010];
	v10 =	vadd.f32 v9, v10  }
.Ltmp2:
0x70: {  	v12 =	vld [tilespmem:s24+$0x9020];
	v2 =	vadd.f32 v4, v2;
	(pc) =	sbr.rel @p1 .LBB2_7-.Ltmp2, $4  }
0x71: {  	v11 =	vld [tilespmem:s24+$0x9030];
	v1 =	vadd.f32 v5, v1  }
0x72: {  	v9 =	vld [tilespmem:s24+$0x9040];
	v0 =	vadd.f32 v13, v0  }
0x73: {  	v7 =	vadd.f32 v14, v7;
	v4 =	vld [tilespmem:s24+$0x9050]  }
0x74: {  	v6 =	vadd.f32 v15, v6;
	v5 =	vld [tilespmem:s24+$0x9060];
	s24 =	sshra.s32 s25, $0x2;
	s25 =	sadd.s32 $0x200, s25  }
0x75: {  	v13 =	vld [tilespmem:s24+$0x9000]  }
0x76: {  	v14 =	vld [tilespmem:s24+$0x9010]  }
0x77: {  	v15 =	vld [tilespmem:s24+$0x9020]  }
0x78: {  	v16 =	vld [tilespmem:s24+$0x9030]  }
0x79: {  	v3 =	vadd.f32 v12, v3;
	v12 =	vld [tilespmem:s24+$0x9050]  }
0x7a: {  	v8 =	vadd.f32 v11, v8;
	v11 =	vld [tilespmem:s24+$0x9060];
	v7 =	vadd.f32 v13, v7  }
0x7b: {  	v17 =	vld [tilespmem:s24+$0x9040];
	v9 =	vadd.f32 v9, v10;
	v6 =	vadd.f32 v14, v6  }
0x7c: {  	s25 =	simm.s32 @!p0 $0x80;
	s26 =	simm.s32 @!p0 $0x9000;
	v10 =	vld [tilespmem:s24+$0x9070];
	s24 =	sadd.s32 @!p0 $0x300, s23;
	v2 =	vadd.f32 v4, v2;
	v3 =	vadd.f32 v15, v3;
	v7 =	vmul.f32 $7.812500000e-03, v7  }
0x7d: {  	[tilespmem:s26], [sflag:$0x3] =	stream.indirect.gather @!p0 [hbm4b:s1+s25], $0x80, s24, s25, $0xb8;
	v1 =	vadd.f32 v5, v1;
	v4 =	vadd.f32 v16, v8;
	v6 =	vmul.f32 $7.812500000e-03, v6;
	[tilespmem:$0x12000] =	vst v63  }
0x7e: {  	v2 =	vadd.f32 v12, v2;
	v3 =	vmul.f32 $7.812500000e-03, v3;
	[tilespmem:s22+$0x11100] =	vst v7  }
0x7f: {  	v1 =	vadd.f32 v11, v1;
	v4 =	vmul.f32 $7.812500000e-03, v4;
	[tilespmem:s22+$0x11110] =	vst v6  }
0x80: {  	v5 =	vadd.f32 v17, v9;
	v2 =	vmul.f32 $7.812500000e-03, v2;
	[tilespmem:s22+$0x11120] =	vst v3  }
0x81: {  	v0 =	vadd.f32 v10, v0;
	v1 =	vmul.f32 $7.812500000e-03, v1;
	[tilespmem:s22+$0x11130] =	vst v4  }
0x82: {  	v3 =	vmul.f32 $7.812500000e-03, v5;
	[tilespmem:s22+$0x11150] =	vst v2  }
0x83: {  	v0 =	vmul.f32 $7.812500000e-03, v0;
	[tilespmem:s22+$0x11160] =	vst v1  }
0x84: {  	[tilespmem:s22+$0x11140] =	vst v3  }
0x85: {  	[tilespmem:s22+$0x11170] =	vst v0  }
0x86: {  	_ =	swait.ge [sflag:s18], $0x4000  }
0x87: {  	[sflag:s18] =	ssyncset.done $0x0  }
0x88: {  	s31 =	simm.s32 $0x0;
	[sflag:s18] =	ssyncadd.s32 $0xFFFFC000  }
0x89: {  	v0 =	vld [tilespmem:s31+$0xD070]  }
0x8a: {  	v1 =	vld [tilespmem:s31+$0xD000]  }
0x8b: {  	v2 =	vld [tilespmem:s31+$0xD010]  }
0x8c: {  	v12 =	vld [tilespmem:s31+$0xD020]  }
0x8d: {  	v11 =	vld [tilespmem:s31+$0xD030]  }
0x8e: {  	v8 =	vimm.f32 $0.0e+00;
	v3 =	vimm.f32 $0.0e+00;
	v9 =	vld [tilespmem:s31+$0xD040]  }
0x8f: {  	v10 =	vimm.f32 $0.0e+00;
	v4 =	vld [tilespmem:s31+$0xD050];
	v0 =	vadd.f32 v0, v3;
	v7 =	vadd.f32 v1, v3  }
0x90: {  	s24 =	simm.s32 $0x80;
	s25 =	simm.s32 $0x400;
	v5 =	vld [tilespmem:s31+$0xD060];
	v6 =	vadd.f32 v2, v3;
	v2 =	vimm.f32 $0.0e+00;
	v1 =	vimm.f32 $0.0e+00  }
.LBB2_9:
0x91: {  	p1 =	sne.s32 s25, $0xFE00;
	v13 =	vld [tilespmem:s24+$0xD070];
	v3 =	vadd.f32 v12, v3  }
0x92: {  	v14 =	vld [tilespmem:s24+$0xD000];
	v8 =	vadd.f32 v11, v8  }
0x93: {  	v15 =	vld [tilespmem:s24+$0xD010];
	v10 =	vadd.f32 v9, v10  }
.Ltmp3:
0x94: {  	v12 =	vld [tilespmem:s24+$0xD020];
	v2 =	vadd.f32 v4, v2;
	(pc) =	sbr.rel @p1 .LBB2_9-.Ltmp3, $4  }
0x95: {  	v11 =	vld [tilespmem:s24+$0xD030];
	v1 =	vadd.f32 v5, v1  }
0x96: {  	v9 =	vld [tilespmem:s24+$0xD040];
	v0 =	vadd.f32 v13, v0  }
0x97: {  	v7 =	vadd.f32 v14, v7;
	v4 =	vld [tilespmem:s24+$0xD050]  }
0x98: {  	v6 =	vadd.f32 v15, v6;
	v5 =	vld [tilespmem:s24+$0xD060];
	s24 =	sshra.s32 s25, $0x2;
	s25 =	sadd.s32 $0x200, s25  }
0x99: {  	v13 =	vld [tilespmem:s24+$0xD000]  }
0x9a: {  	v14 =	vld [tilespmem:s24+$0xD010]  }
0x9b: {  	v15 =	vld [tilespmem:s24+$0xD020]  }
0x9c: {  	v16 =	vld [tilespmem:s24+$0xD030]  }
0x9d: {  	v17 =	vld [tilespmem:s24+$0xD040]  }
0x9e: {  	v3 =	vadd.f32 v12, v3;
	v58 =	vld [tilespmem:s24+$0xD050];
	v7 =	vadd.f32 v13, v7  }
0x9f: {  	v60 =	vld [tilespmem:s24+$0xD070];
	v8 =	vadd.f32 v11, v8;
	v6 =	vadd.f32 v14, v6  }
0xa0: {  	v59 =	vld [tilespmem:s24+$0xD060];
	s23 =	sadd.s32 @!p0 $0x380, s23;
	s24 =	simm.s32 @!p0 $0x80;
	s25 =	simm.s32 @!p0 $0xD000;
	v9 =	vadd.f32 v9, v10;
	v3 =	vadd.f32 v15, v3;
	v7 =	vmul.f32 $7.812500000e-03, v7  }
0xa1: {  	[tilespmem:s25], [sflag:$0x4] =	stream.indirect.gather @!p0 [hbm4b:s1+s24], $0x80, s23, s24, $0xb8;
	v2 =	vadd.f32 v4, v2;
	v61 =	vadd.f32 v16, v8;
	v6 =	vmul.f32 $7.812500000e-03, v6;
	[tilespmem:$0x12000] =	vst v63  }
0xa2: {  	v62 =	vadd.f32 v17, v9;
	v3 =	vmul.f32 $7.812500000e-03, v3;
	[tilespmem:s22+$0x11180] =	vst v7  }
0xa3: {  	s21 =	sadd.s32 $0x1, s21;
	v1 =	vadd.f32 v5, v1;
	v2 =	vadd.f32 v58, v2;
	v4 =	vmul.f32 $7.812500000e-03, v61;
	[tilespmem:s22+$0x11190] =	vst v6  }
0xa4: {  	p0 =	sne.s32 s21, $0x8;
	v0 =	vadd.f32 v60, v0;
	v63 =	vmul.f32 $7.812500000e-03, v62;
	[tilespmem:s22+$0x111A0] =	vst v3  }
.Ltmp4:
0xa5: {  	v1 =	vadd.f32 v59, v1;
	v2 =	vmul.f32 $7.812500000e-03, v2;
	[tilespmem:s22+$0x111B0] =	vst v4;
	(pc) =	sbr.rel @p0 .LBB2_2-.Ltmp4, $4  }
0xa6: {  	v0 =	vmul.f32 $7.812500000e-03, v0;
	[tilespmem:s22+$0x111C0] =	vst v63  }
0xa7: {  	v1 =	vmul.f32 $7.812500000e-03, v1;
	[tilespmem:s22+$0x111D0] =	vst v2  }
0xa8: {  	[tilespmem:s22+$0x111F0] =	vst v0  }
0xa9: {  	[tilespmem:s22+$0x111E0] =	vst v1  }
0xaa: {  	s20 =	sadd.s32 $0x1, s20  }
0xab: {  	p0 =	sne.s32 s20, s6  }
.Ltmp5:
0xac: {  	_ = 	snop;
	(pc) =	sbr.rel @p0 .LBB2_1-.Ltmp5, $4  }
0xad: {  	[hbm4b:s5+s3] =	stream.linear.scatter [tilespmem:s19], [sflag:$0x5], $0x1000, $0x38;
	[tilespmem:$0x12000] =	vst v63  }
0xae: {  	_ =	swait.ge [sflag:s7], $0x1000  }
0xaf: {  	[sflag:s7] =	ssyncset.done $0x0  }
0xb0: {  	[sflag:s7] =	ssyncadd.s32 $0xFFFFF000  }
0xb1: {  	_ =	sfence.sel $0x180000  }
0xb2: {  	[bflag:$0x0] =	sbarrier.arrive $0xFFFF  }
0xb3: {  	p0 =	sne.s32 s2, $0x0;
	_ =	strace $0x90000047  }
0xb4: {  	s0 =	sadd.s32 @!p0 $0x100000, s0;
	[bflag:$0x2] =	sbarrier.arrive $0xFFFF  }
0xb5: {  	[sflag:s0] =	ssyncadd.tile.s32 @!p0 $0x1;
	_ =	shalt  }
.Lfunc_end2:
_tile_overlayer_lowered:
.L_overlay_start_2:
0xb6: {  	(tag) =	ssettag $0x2  }
0xb7: {  	s0 =	rddreg [dreg:$0x0];
	s2 =	stileid.u32  }
0xb8: {  	s1 =	rddreg [dreg:$0x1];
	p0 =	sne.s32 s2, $0x0  }
0xb9: {  	s3 =	rddreg [dreg:$0x2];
	[bflag:$0x3] =	sbarrier.arrive $0xFFFF;
	s2 =	simm.s32 @!p0 $0x1C05  }
0xba: {  	[timem:s3], [sflag:s2] =	dma.local @!p0 [hbm:s0], s1  }
0xbb: {  	s0 =	simm.s32 @!p0 $0x5  }
0xbc: {  	_ =	swait.ge @!p0 [sflag:s0], s1  }
0xbd: {  	s1 =	ssub.s32 @!p0 $0x0, s1;
	[sflag:s0] =	ssyncset.done @!p0 $0x0  }
0xbe: {  	[sflag:s0] =	ssyncadd.s32 @!p0 s1  }
0xbf: {  	[bflag:$0x3] =	sbarrier.arrive $0xFFFF  }
0xc0: {  	_ =	shalt  }

</sc_bundles>
